<compile_context>
chip_gen: v7x
topology: tpu7x:2x2x1
jax: 0.10.2.dev20260603
libtpu: 0.0.44.dev20260713+nightly
codegen_flags: <defaults>
</compile_context>

<pallas_src>
import functools

import jax
import jax.numpy as jnp
from jax import lax
from jax.experimental import pallas as pl
from jax.experimental.pallas import tpu as pltpu
from jax.experimental.pallas import tpu_sc as plsc

N_NODES = 100000
N_EDGES = 6400000
NC = 2
NS = 16
NW = NC * NS
EPW = N_EDGES // NW
CHUNK = 4000
NCHUNKS = EPW // CHUNK
NGROUPS = NCHUNKS // 2
VPC = CHUNK // 16
UNROLL = 10
NPAD = 100352

_mesh = plsc.VectorSubcoreMesh(core_axis_name="c", subcore_axis_name="s")


@functools.partial(
    pl.kernel,
    out_type=jax.ShapeDtypeStruct((N_EDGES,), jnp.float32),
    mesh=_mesh,
    compiler_params=pltpu.CompilerParams(needs_layout_passes=False),
    scratch_types=[
        pltpu.VMEM((N_NODES,), jnp.float32),
        pltpu.VMEM((CHUNK,), jnp.int32),
        pltpu.VMEM((CHUNK,), jnp.int32),
        pltpu.VMEM((CHUNK,), jnp.float32),
        pltpu.VMEM((CHUNK,), jnp.float32),
        pltpu.SemaphoreType.DMA,
        pltpu.SemaphoreType.DMA,
        pltpu.SemaphoreType.DMA,
        pltpu.SemaphoreType.DMA,
    ],
)
def _gather_kernel(power_hbm, edge_hbm, vals_hbm,
                   table, src0, src1, val0, val1, si0, si1, so0, so1):
    ci = lax.axis_index("c")
    si = lax.axis_index("s")
    wid = ci * NS + si
    base0 = wid * EPW

    srcs = (src0, src1)
    vals = (val0, val1)
    sin = (si0, si1)
    sout = (so0, so1)

    pltpu.sync_copy(power_hbm, table)

    for b in range(2):
        pltpu.async_copy(
            edge_hbm.at[pl.ds(pl.multiple_of(base0 + b * CHUNK, 8), CHUNK)],
            srcs[b], sin[b])

    def group_body(g, carry):
        for b in range(2):
            @pl.when(g > 0)
            def _():
                pltpu.make_async_copy(
                    vals_hbm.at[pl.ds(0, CHUNK)], vals[b], sout[b]).wait()
            pltpu.make_async_copy(
                edge_hbm.at[pl.ds(0, CHUNK)], srcs[b], sin[b]).wait()

            def vec_body(i, c):
                for u in range(UNROLL):
                    off = pl.multiple_of((i * UNROLL + u) * 16, 16)
                    idx = srcs[b][pl.ds(off, 16)]
                    vals[b][pl.ds(off, 16)] = plsc.load_gather(table, [idx])
                return c
            lax.fori_loop(0, VPC // UNROLL, vec_body, 0)

            out_base = pl.multiple_of(base0 + (2 * g + b) * CHUNK, 8)
            pltpu.async_copy(vals[b], vals_hbm.at[pl.ds(out_base, CHUNK)],
                             sout[b])

            @pl.when(g < NGROUPS - 1)
            def _():
                nxt = pl.multiple_of(base0 + (2 * (g + 1) + b) * CHUNK, 8)
                pltpu.async_copy(edge_hbm.at[pl.ds(nxt, CHUNK)],
                                 srcs[b], sin[b])
        return carry

    lax.fori_loop(0, NGROUPS, group_body, 0)

    for b in range(2):
        pltpu.make_async_copy(
            vals_hbm.at[pl.ds(0, CHUNK)], vals[b], sout[b]).wait()


@functools.partial(
    pl.kernel,
    out_type=jax.ShapeDtypeStruct((NW, NPAD), jnp.float32),
    mesh=_mesh,
    compiler_params=pltpu.CompilerParams(needs_layout_passes=False),
    scratch_types=[
        pltpu.VMEM((NPAD,), jnp.float32),
        pltpu.VMEM((CHUNK,), jnp.int32),
        pltpu.VMEM((CHUNK,), jnp.int32),
        pltpu.VMEM((CHUNK,), jnp.float32),
        pltpu.VMEM((CHUNK,), jnp.float32),
        pltpu.SemaphoreType.DMA,
        pltpu.SemaphoreType.DMA,
    ],
)
def _scatter_kernel(edge_hbm, vals_hbm, part_hbm,
                    acc, dst0, dst1, val0, val1, si0, si1):
    ci = lax.axis_index("c")
    si = lax.axis_index("s")
    wid = ci * NS + si
    base0 = wid * EPW

    dsts = (dst0, dst1)
    vals = (val0, val1)
    sin = (si0, si1)

    for b in range(2):
        off = pl.multiple_of(base0 + b * CHUNK, 8)
        pltpu.async_copy(edge_hbm.at[pl.ds(N_EDGES + off, CHUNK)],
                         dsts[b], sin[b])
        pltpu.async_copy(vals_hbm.at[pl.ds(off, CHUNK)], vals[b], sin[b])

    def zero_body(i, carry):
        for u in range(8):
            off = pl.multiple_of((i * 8 + u) * 16, 16)
            acc[pl.ds(off, 16)] = jnp.zeros((16,), jnp.float32)
        return carry
    lax.fori_loop(0, NPAD // 128, zero_body, 0)

    def group_body(g, carry):
        for b in range(2):
            pltpu.make_async_copy(
                edge_hbm.at[pl.ds(0, CHUNK)], dsts[b], sin[b]).wait()
            pltpu.make_async_copy(
                vals_hbm.at[pl.ds(0, CHUNK)], vals[b], sin[b]).wait()

            def vec_body(i, c):
                for u in range(UNROLL):
                    off = pl.multiple_of((i * UNROLL + u) * 16, 16)
                    idx = dsts[b][pl.ds(off, 16)]
                    x = vals[b][pl.ds(off, 16)]
                    plsc.addupdate_scatter(acc, [idx], x)
                return c
            lax.fori_loop(0, VPC // UNROLL, vec_body, 0)

            @pl.when(g < NGROUPS - 1)
            def _():
                nxt = pl.multiple_of(base0 + (2 * (g + 1) + b) * CHUNK, 8)
                pltpu.async_copy(edge_hbm.at[pl.ds(N_EDGES + nxt, CHUNK)],
                                 dsts[b], sin[b])
                pltpu.async_copy(vals_hbm.at[pl.ds(nxt, CHUNK)],
                                 vals[b], sin[b])
        return carry

    lax.fori_loop(0, NGROUPS, group_body, 0)

    pltpu.sync_copy(acc, part_hbm.at[wid])


def _combine_body(ts_ref, p_ref, o_ref):
    o_ref[...] = jnp.sum(p_ref[...], axis=0) * ts_ref[0]


_combine = pl.pallas_call(
    _combine_body,
    grid=(7,),
    out_shape=jax.ShapeDtypeStruct((NPAD // 128, 128), jnp.float32),
    in_specs=[
        pl.BlockSpec(memory_space=pltpu.SMEM),
        pl.BlockSpec((NW, NPAD // 128 // 7, 128), lambda i: (0, i, 0)),
    ],
    out_specs=pl.BlockSpec((NPAD // 128 // 7, 128), lambda i: (i, 0)),
)


@jax.jit
def kernel(power, time_step, edge_index):
    edges = edge_index.astype(jnp.int32).reshape(-1)
    vals = _gather_kernel(power, edges)
    partials = _scatter_kernel(edges, vals)
    heat_pad = _combine(time_step, partials.reshape(NW, NPAD // 128, 128))
    return heat_pad.reshape(-1)[:N_NODES]

# --- scband reference (transcript-rebuilt; emitter-appended) ---
"""Pipeline reference for scband-message-passing-heat-supplied-1228360646892 (READ-ONLY COPY).

The authoritative reference and input builder live on the scoring server;
editing this copy changes nothing except your own understanding.
"""

import jax, jax.numpy as jnp
import numpy as np

N_NODES = 100000
N_EDGES = 6400000

def setup_inputs(seed: int = 0) -> dict:
    key = jax.random.key(seed)
    k1, k2, k3 = jax.random.split(key, 3)
    power = jax.random.uniform(k1, (N_NODES,), dtype=jnp.float32)
    time_step = jax.random.uniform(k2, (1,), dtype=jnp.float32)
    edge_index = jax.random.randint(k3, (2, N_EDGES), 0, N_NODES, dtype=jnp.int64)
    return {"power": power, "time_step": time_step, "edge_index": edge_index}

def reference(power, time_step, edge_index):
    # energy_supplied = graph.node_sets['heater']['power'] * graph.context['time_step']
    energy_supplied = power * time_step[0]
    src = edge_index[0]
    dst = edge_index[1]
    # tfgnn.broadcast_node_to_edges(..., SOURCE, ...): gather node values to edges
    energy_supplied_broadcast = jnp.take(energy_supplied, src, axis=0)
    # tfgnn.pool_edges_to_node(..., TARGET, ...): default sum-pool -> scatter-add over dst
    heat_supplied = jax.ops.segment_sum(energy_supplied_broadcast, dst, num_segments=N_NODES)
    return heat_supplied

if __name__ == "__main__":
    import jax
    _d = setup_inputs()
    print(jax.jit(kernel)(*tuple(_d.values())))

</pallas_src>

<mosaic_0001>
#map = affine_map<(d0, d1) -> (0)>
module attributes {stable_mosaic.version = 14 : i64} {
  func.func @_gather_kernel(%arg0: i32, %arg1: i32, %arg2: memref<100000xf32, #tpu.memory_space<hbm>>, %arg3: memref<12800000xi32, #tpu.memory_space<hbm>>, %arg4: memref<6400000xf32, #tpu.memory_space<hbm>>, %arg5: memref<100000xf32, #tpu.memory_space<vmem>>, %arg6: memref<4000xi32, #tpu.memory_space<vmem>>, %arg7: memref<4000xi32, #tpu.memory_space<vmem>>, %arg8: memref<4000xf32, #tpu.memory_space<vmem>>, %arg9: memref<4000xf32, #tpu.memory_space<vmem>>, %arg10: memref<!tpu.dma_semaphore, #tpu.memory_space<semaphore_mem>>, %arg11: memref<!tpu.dma_semaphore, #tpu.memory_space<semaphore_mem>>, %arg12: memref<!tpu.dma_semaphore, #tpu.memory_space<semaphore_mem>>, %arg13: memref<!tpu.dma_semaphore, #tpu.memory_space<semaphore_mem>>) attributes {dimension_semantics = [#tpu.dimension_semantics<core_parallel>, #tpu.dimension_semantics<subcore_parallel>], iteration_bounds = array<i64: 2, 16>, scalar_prefetch = 0 : i64, scratch_operands = 9 : i64, tpu.core_type = #tpu.core_type<sc_vector_subcore>, window_params = [{transform_indices = #map}, {transform_indices = #map}, {transform_indices = #map}]} {
    %mul3A = arith.constant 16 : i32
    %mul3A_0 = arith.muli %arg0, %mul3A : i32
    %add3A = arith.addi %mul3A_0, %arg1 : i32
    %mul3A_1 = arith.constant 200000 : i32
    %mul3A_2 = arith.muli %add3A, %mul3A_1 : i32
    "tpu.region"() ({
      %run_scoped3A = tpu.sem_alloc : memref<!tpu.dma_semaphore, #tpu.memory_space<semaphore_mem>>
      tpu.enqueue_dma source(%arg2 : memref<100000xf32, #tpu.memory_space<hbm>>) target(%arg5 : memref<100000xf32, #tpu.memory_space<vmem>>) target_semaphore(%run_scoped3A : memref<!tpu.dma_semaphore, #tpu.memory_space<semaphore_mem>>)
      tpu.wait_dma2 semaphore(%run_scoped3A : memref<!tpu.dma_semaphore, #tpu.memory_space<semaphore_mem>>) src(%arg2 : memref<100000xf32, #tpu.memory_space<hbm>>) dst(%arg5 : memref<100000xf32, #tpu.memory_space<vmem>>)
      tpu.yield
    }) : () -> ()
    %add3A_3 = arith.constant 0 : i32
    %add3A_4 = arith.addi %mul3A_2, %add3A_3 : i32
    %multiple_of3A = tpu.assume_multiple %add3A_4, 8 : i32
    %dma_start3A = tpu.memref_slice %arg3[%multiple_of3A] : memref<12800000xi32, #tpu.memory_space<hbm>> -> memref<4000xi32, #tpu.memory_space<hbm>>
    %dma_start3A_5 = tpu.memref_slice %arg3[%multiple_of3A] : memref<12800000xi32, #tpu.memory_space<hbm>> -> memref<4000xi32, #tpu.memory_space<hbm>>
    tpu.enqueue_dma source(%dma_start3A_5 : memref<4000xi32, #tpu.memory_space<hbm>>) target(%arg6 : memref<4000xi32, #tpu.memory_space<vmem>>) target_semaphore(%arg10 : memref<!tpu.dma_semaphore, #tpu.memory_space<semaphore_mem>>)
    %add3A_6 = arith.constant 4000 : i32
    %add3A_7 = arith.addi %mul3A_2, %add3A_6 : i32
    %multiple_of3A_8 = tpu.assume_multiple %add3A_7, 8 : i32
    %dma_start3A_9 = tpu.memref_slice %arg3[%multiple_of3A_8] : memref<12800000xi32, #tpu.memory_space<hbm>> -> memref<4000xi32, #tpu.memory_space<hbm>>
    %dma_start3A_10 = tpu.memref_slice %arg3[%multiple_of3A_8] : memref<12800000xi32, #tpu.memory_space<hbm>> -> memref<4000xi32, #tpu.memory_space<hbm>>
    tpu.enqueue_dma source(%dma_start3A_10 : memref<4000xi32, #tpu.memory_space<hbm>>) target(%arg7 : memref<4000xi32, #tpu.memory_space<vmem>>) target_semaphore(%arg11 : memref<!tpu.dma_semaphore, #tpu.memory_space<semaphore_mem>>)
    %scan3A = arith.constant 0 : i32
    %scan3A_11 = arith.constant 0 : i32
    %scan3A_12 = arith.constant 25 : i32
    %scan3A_13 = arith.addi %scan3A_11, %scan3A_12 : i32
    %scan3A_14 = arith.constant 1 : i32
    scf.for %scan3A_23 = %scan3A_11 to %scan3A_13 step %scan3A_14  : i32 {
      %gt3A = arith.constant 0 : i32
      %gt3A_24 = arith.cmpi sgt, %scan3A_23, %gt3A : i32
      %convert_element_type3A = arith.extui %gt3A_24 : i1 to i32
      %cond3A = arith.constant 0 : i32
      %cond3A_25 = arith.cmpi ne, %convert_element_type3A, %cond3A : i32
      scf.if %cond3A_25 {
        %dma_wait3A_80 = arith.constant 0 : i32
        %dma_wait3A_81 = tpu.memref_slice %arg4[%dma_wait3A_80] : memref<6400000xf32, #tpu.memory_space<hbm>> -> memref<4000xf32, #tpu.memory_space<hbm>>
        %dma_wait3A_82 = arith.constant 0 : i32
        %dma_wait3A_83 = tpu.memref_slice %arg4[%dma_wait3A_82] : memref<6400000xf32, #tpu.memory_space<hbm>> -> memref<4000xf32, #tpu.memory_space<hbm>>
        tpu.wait_dma2 semaphore(%arg12 : memref<!tpu.dma_semaphore, #tpu.memory_space<semaphore_mem>>) src(%dma_wait3A_83 : memref<4000xf32, #tpu.memory_space<hbm>>) dst(%arg8 : memref<4000xf32, #tpu.memory_space<vmem>>)
      } else {
      }
      %dma_wait3A_26 = arith.constant 0 : i32
      %dma_wait3A_27 = tpu.memref_slice %arg3[%dma_wait3A_26] : memref<12800000xi32, #tpu.memory_space<hbm>> -> memref<4000xi32, #tpu.memory_space<hbm>>
      %dma_wait3A_28 = arith.constant 0 : i32
      %dma_wait3A_29 = tpu.memref_slice %arg3[%dma_wait3A_28] : memref<12800000xi32, #tpu.memory_space<hbm>> -> memref<4000xi32, #tpu.memory_space<hbm>>
      tpu.wait_dma2 semaphore(%arg10 : memref<!tpu.dma_semaphore, #tpu.memory_space<semaphore_mem>>) src(%dma_wait3A_29 : memref<4000xi32, #tpu.memory_space<hbm>>) dst(%arg6 : memref<4000xi32, #tpu.memory_space<vmem>>)
      %scan3A_30 = arith.constant 0 : i32
      %scan3A_31 = arith.constant 0 : i32
      %scan3A_32 = arith.constant 25 : i32
      %scan3A_33 = arith.addi %scan3A_31, %scan3A_32 : i32
      %scan3A_34 = arith.constant 1 : i32
      scf.for %scan3A_80 = %scan3A_31 to %scan3A_33 step %scan3A_34  : i32 {
        %mul3A_81 = arith.constant 10 : i32
        %mul3A_82 = arith.muli %scan3A_80, %mul3A_81 : i32
        %add3A_83 = arith.constant 0 : i32
        %add3A_84 = arith.addi %mul3A_82, %add3A_83 : i32
        %mul3A_85 = arith.constant 16 : i32
        %mul3A_86 = arith.muli %add3A_84, %mul3A_85 : i32
        %multiple_of3A_87 = tpu.assume_multiple %mul3A_86, 16 : i32
        %get3A = arith.index_cast %multiple_of3A_87 : i32 to index
        %get3A_88 = tpu.vector_load %arg6[%get3A] {strides = array<i32>} : memref<4000xi32, #tpu.memory_space<vmem>>, vector<16xi32>,
        %gather3A = tpu.vector_load_idx %arg5[%get3A_88] : memref<100000xf32, #tpu.memory_space<vmem>>[vector<16xi32>], vector<16xf32>,
        %swap3A = arith.index_cast %multiple_of3A_87 : i32 to index
        %swap3A_89 = tpu.vector_load %arg8[%swap3A] {strides = array<i32>} : memref<4000xf32, #tpu.memory_space<vmem>>, vector<16xf32>,
        tpu.vector_store %arg8[%swap3A], %gather3A {strides = array<i32>} : memref<4000xf32, #tpu.memory_space<vmem>>, vector<16xf32>,
        %mul3A_90 = arith.constant 10 : i32
        %mul3A_91 = arith.muli %scan3A_80, %mul3A_90 : i32
        %add3A_92 = arith.constant 1 : i32
        %add3A_93 = arith.addi %mul3A_91, %add3A_92 : i32
        %mul3A_94 = arith.constant 16 : i32
        %mul3A_95 = arith.muli %add3A_93, %mul3A_94 : i32
        %multiple_of3A_96 = tpu.assume_multiple %mul3A_95, 16 : i32
        %get3A_97 = arith.index_cast %multiple_of3A_96 : i32 to index
        %get3A_98 = tpu.vector_load %arg6[%get3A_97] {strides = array<i32>} : memref<4000xi32, #tpu.memory_space<vmem>>, vector<16xi32>,
        %gather3A_99 = tpu.vector_load_idx %arg5[%get3A_98] : memref<100000xf32, #tpu.memory_space<vmem>>[vector<16xi32>], vector<16xf32>,
        %swap3A_100 = arith.index_cast %multiple_of3A_96 : i32 to index
        %swap3A_101 = tpu.vector_load %arg8[%swap3A_100] {strides = array<i32>} : memref<4000xf32, #tpu.memory_space<vmem>>, vector<16xf32>,
        tpu.vector_store %arg8[%swap3A_100], %gather3A_99 {strides = array<i32>} : memref<4000xf32, #tpu.memory_space<vmem>>, vector<16xf32>,
        %mul3A_102 = arith.constant 10 : i32
        %mul3A_103 = arith.muli %scan3A_80, %mul3A_102 : i32
        %add3A_104 = arith.constant 2 : i32
        %add3A_105 = arith.addi %mul3A_103, %add3A_104 : i32
        %mul3A_106 = arith.constant 16 : i32
        %mul3A_107 = arith.muli %add3A_105, %mul3A_106 : i32
        %multiple_of3A_108 = tpu.assume_multiple %mul3A_107, 16 : i32
        %get3A_109 = arith.index_cast %multiple_of3A_108 : i32 to index
        %get3A_110 = tpu.vector_load %arg6[%get3A_109] {strides = array<i32>} : memref<4000xi32, #tpu.memory_space<vmem>>, vector<16xi32>,
        %gather3A_111 = tpu.vector_load_idx %arg5[%get3A_110] : memref<100000xf32, #tpu.memory_space<vmem>>[vector<16xi32>], vector<16xf32>,
        %swap3A_112 = arith.index_cast %multiple_of3A_108 : i32 to index
        %swap3A_113 = tpu.vector_load %arg8[%swap3A_112] {strides = array<i32>} : memref<4000xf32, #tpu.memory_space<vmem>>, vector<16xf32>,
        tpu.vector_store %arg8[%swap3A_112], %gather3A_111 {strides = array<i32>} : memref<4000xf32, #tpu.memory_space<vmem>>, vector<16xf32>,
        %mul3A_114 = arith.constant 10 : i32
        %mul3A_115 = arith.muli %scan3A_80, %mul3A_114 : i32
        %add3A_116 = arith.constant 3 : i32
        %add3A_117 = arith.addi %mul3A_115, %add3A_116 : i32
        %mul3A_118 = arith.constant 16 : i32
        %mul3A_119 = arith.muli %add3A_117, %mul3A_118 : i32
        %multiple_of3A_120 = tpu.assume_multiple %mul3A_119, 16 : i32
        %get3A_121 = arith.index_cast %multiple_of3A_120 : i32 to index
        %get3A_122 = tpu.vector_load %arg6[%get3A_121] {strides = array<i32>} : memref<4000xi32, #tpu.memory_space<vmem>>, vector<16xi32>,
        %gather3A_123 = tpu.vector_load_idx %arg5[%get3A_122] : memref<100000xf32, #tpu.memory_space<vmem>>[vector<16xi32>], vector<16xf32>,
        %swap3A_124 = arith.index_cast %multiple_of3A_120 : i32 to index
        %swap3A_125 = tpu.vector_load %arg8[%swap3A_124] {strides = array<i32>} : memref<4000xf32, #tpu.memory_space<vmem>>, vector<16xf32>,
        tpu.vector_store %arg8[%swap3A_124], %gather3A_123 {strides = array<i32>} : memref<4000xf32, #tpu.memory_space<vmem>>, vector<16xf32>,
        %mul3A_126 = arith.constant 10 : i32
        %mul3A_127 = arith.muli %scan3A_80, %mul3A_126 : i32
        %add3A_128 = arith.constant 4 : i32
        %add3A_129 = arith.addi %mul3A_127, %add3A_128 : i32
        %mul3A_130 = arith.constant 16 : i32
        %mul3A_131 = arith.muli %add3A_129, %mul3A_130 : i32
        %multiple_of3A_132 = tpu.assume_multiple %mul3A_131, 16 : i32
        %get3A_133 = arith.index_cast %multiple_of3A_132 : i32 to index
        %get3A_134 = tpu.vector_load %arg6[%get3A_133] {strides = array<i32>} : memref<4000xi32, #tpu.memory_space<vmem>>, vector<16xi32>,
        %gather3A_135 = tpu.vector_load_idx %arg5[%get3A_134] : memref<100000xf32, #tpu.memory_space<vmem>>[vector<16xi32>], vector<16xf32>,
        %swap3A_136 = arith.index_cast %multiple_of3A_132 : i32 to index
        %swap3A_137 = tpu.vector_load %arg8[%swap3A_136] {strides = array<i32>} : memref<4000xf32, #tpu.memory_space<vmem>>, vector<16xf32>,
        tpu.vector_store %arg8[%swap3A_136], %gather3A_135 {strides = array<i32>} : memref<4000xf32, #tpu.memory_space<vmem>>, vector<16xf32>,
        %mul3A_138 = arith.constant 10 : i32
        %mul3A_139 = arith.muli %scan3A_80, %mul3A_138 : i32
        %add3A_140 = arith.constant 5 : i32
        %add3A_141 = arith.addi %mul3A_139, %add3A_140 : i32
        %mul3A_142 = arith.constant 16 : i32
        %mul3A_143 = arith.muli %add3A_141, %mul3A_142 : i32
        %multiple_of3A_144 = tpu.assume_multiple %mul3A_143, 16 : i32
        %get3A_145 = arith.index_cast %multiple_of3A_144 : i32 to index
        %get3A_146 = tpu.vector_load %arg6[%get3A_145] {strides = array<i32>} : memref<4000xi32, #tpu.memory_space<vmem>>, vector<16xi32>,
        %gather3A_147 = tpu.vector_load_idx %arg5[%get3A_146] : memref<100000xf32, #tpu.memory_space<vmem>>[vector<16xi32>], vector<16xf32>,
        %swap3A_148 = arith.index_cast %multiple_of3A_144 : i32 to index
        %swap3A_149 = tpu.vector_load %arg8[%swap3A_148] {strides = array<i32>} : memref<4000xf32, #tpu.memory_space<vmem>>, vector<16xf32>,
        tpu.vector_store %arg8[%swap3A_148], %gather3A_147 {strides = array<i32>} : memref<4000xf32, #tpu.memory_space<vmem>>, vector<16xf32>,
        %mul3A_150 = arith.constant 10 : i32
        %mul3A_151 = arith.muli %scan3A_80, %mul3A_150 : i32
        %add3A_152 = arith.constant 6 : i32
        %add3A_153 = arith.addi %mul3A_151, %add3A_152 : i32
        %mul3A_154 = arith.constant 16 : i32
        %mul3A_155 = arith.muli %add3A_153, %mul3A_154 : i32
        %multiple_of3A_156 = tpu.assume_multiple %mul3A_155, 16 : i32
        %get3A_157 = arith.index_cast %multiple_of3A_156 : i32 to index
        %get3A_158 = tpu.vector_load %arg6[%get3A_157] {strides = array<i32>} : memref<4000xi32, #tpu.memory_space<vmem>>, vector<16xi32>,
        %gather3A_159 = tpu.vector_load_idx %arg5[%get3A_158] : memref<100000xf32, #tpu.memory_space<vmem>>[vector<16xi32>], vector<16xf32>,
        %swap3A_160 = arith.index_cast %multiple_of3A_156 : i32 to index
        %swap3A_161 = tpu.vector_load %arg8[%swap3A_160] {strides = array<i32>} : memref<4000xf32, #tpu.memory_space<vmem>>, vector<16xf32>,
        tpu.vector_store %arg8[%swap3A_160], %gather3A_159 {strides = array<i32>} : memref<4000xf32, #tpu.memory_space<vmem>>, vector<16xf32>,
        %mul3A_162 = arith.constant 10 : i32
        %mul3A_163 = arith.muli %scan3A_80, %mul3A_162 : i32
        %add3A_164 = arith.constant 7 : i32
        %add3A_165 = arith.addi %mul3A_163, %add3A_164 : i32
        %mul3A_166 = arith.constant 16 : i32
        %mul3A_167 = arith.muli %add3A_165, %mul3A_166 : i32
        %multiple_of3A_168 = tpu.assume_multiple %mul3A_167, 16 : i32
        %get3A_169 = arith.index_cast %multiple_of3A_168 : i32 to index
        %get3A_170 = tpu.vector_load %arg6[%get3A_169] {strides = array<i32>} : memref<4000xi32, #tpu.memory_space<vmem>>, vector<16xi32>,
        %gather3A_171 = tpu.vector_load_idx %arg5[%get3A_170] : memref<100000xf32, #tpu.memory_space<vmem>>[vector<16xi32>], vector<16xf32>,
        %swap3A_172 = arith.index_cast %multiple_of3A_168 : i32 to index
        %swap3A_173 = tpu.vector_load %arg8[%swap3A_172] {strides = array<i32>} : memref<4000xf32, #tpu.memory_space<vmem>>, vector<16xf32>,
        tpu.vector_store %arg8[%swap3A_172], %gather3A_171 {strides = array<i32>} : memref<4000xf32, #tpu.memory_space<vmem>>, vector<16xf32>,
        %mul3A_174 = arith.constant 10 : i32
        %mul3A_175 = arith.muli %scan3A_80, %mul3A_174 : i32
        %add3A_176 = arith.constant 8 : i32
        %add3A_177 = arith.addi %mul3A_175, %add3A_176 : i32
        %mul3A_178 = arith.constant 16 : i32
        %mul3A_179 = arith.muli %add3A_177, %mul3A_178 : i32
        %multiple_of3A_180 = tpu.assume_multiple %mul3A_179, 16 : i32
        %get3A_181 = arith.index_cast %multiple_of3A_180 : i32 to index
        %get3A_182 = tpu.vector_load %arg6[%get3A_181] {strides = array<i32>} : memref<4000xi32, #tpu.memory_space<vmem>>, vector<16xi32>,
        %gather3A_183 = tpu.vector_load_idx %arg5[%get3A_182] : memref<100000xf32, #tpu.memory_space<vmem>>[vector<16xi32>], vector<16xf32>,
        %swap3A_184 = arith.index_cast %multiple_of3A_180 : i32 to index
        %swap3A_185 = tpu.vector_load %arg8[%swap3A_184] {strides = array<i32>} : memref<4000xf32, #tpu.memory_space<vmem>>, vector<16xf32>,
        tpu.vector_store %arg8[%swap3A_184], %gather3A_183 {strides = array<i32>} : memref<4000xf32, #tpu.memory_space<vmem>>, vector<16xf32>,
        %mul3A_186 = arith.constant 10 : i32
        %mul3A_187 = arith.muli %scan3A_80, %mul3A_186 : i32
        %add3A_188 = arith.constant 9 : i32
        %add3A_189 = arith.addi %mul3A_187, %add3A_188 : i32
        %mul3A_190 = arith.constant 16 : i32
        %mul3A_191 = arith.muli %add3A_189, %mul3A_190 : i32
        %multiple_of3A_192 = tpu.assume_multiple %mul3A_191, 16 : i32
        %get3A_193 = arith.index_cast %multiple_of3A_192 : i32 to index
        %get3A_194 = tpu.vector_load %arg6[%get3A_193] {strides = array<i32>} : memref<4000xi32, #tpu.memory_space<vmem>>, vector<16xi32>,
        %gather3A_195 = tpu.vector_load_idx %arg5[%get3A_194] : memref<100000xf32, #tpu.memory_space<vmem>>[vector<16xi32>], vector<16xf32>,
        %swap3A_196 = arith.index_cast %multiple_of3A_192 : i32 to index
        %swap3A_197 = tpu.vector_load %arg8[%swap3A_196] {strides = array<i32>} : memref<4000xf32, #tpu.memory_space<vmem>>, vector<16xf32>,
        tpu.vector_store %arg8[%swap3A_196], %gather3A_195 {strides = array<i32>} : memref<4000xf32, #tpu.memory_space<vmem>>, vector<16xf32>,
      }
      %scan3A_35 = arith.constant 25 : i32
      %mul3A_36 = arith.constant 2 : i32
      %mul3A_37 = arith.muli %mul3A_36, %scan3A_23 : i32
      %add3A_38 = arith.constant 0 : i32
      %add3A_39 = arith.addi %mul3A_37, %add3A_38 : i32
      %mul3A_40 = arith.constant 4000 : i32
      %mul3A_41 = arith.muli %add3A_39, %mul3A_40 : i32
      %add3A_42 = arith.addi %mul3A_2, %mul3A_41 : i32
      %multiple_of3A_43 = tpu.assume_multiple %add3A_42, 8 : i32
      %dma_start3A_44 = tpu.memref_slice %arg4[%multiple_of3A_43] : memref<6400000xf32, #tpu.memory_space<hbm>> -> memref<4000xf32, #tpu.memory_space<hbm>>
      %dma_start3A_45 = tpu.memref_slice %arg4[%multiple_of3A_43] : memref<6400000xf32, #tpu.memory_space<hbm>> -> memref<4000xf32, #tpu.memory_space<hbm>>
      tpu.enqueue_dma source(%arg8 : memref<4000xf32, #tpu.memory_space<vmem>>) target(%dma_start3A_45 : memref<4000xf32, #tpu.memory_space<hbm>>) target_semaphore(%arg12 : memref<!tpu.dma_semaphore, #tpu.memory_space<semaphore_mem>>)
      %lt3A = arith.constant 24 : i32
      %lt3A_46 = arith.cmpi slt, %scan3A_23, %lt3A : i32
      %convert_element_type3A_47 = arith.extui %lt3A_46 : i1 to i32
      %cond3A_48 = arith.constant 0 : i32
      %cond3A_49 = arith.cmpi ne, %convert_element_type3A_47, %cond3A_48 : i32
      scf.if %cond3A_49 {
        %add3A_80 = arith.constant 1 : i32
        %add3A_81 = arith.addi %scan3A_23, %add3A_80 : i32
        %mul3A_82 = arith.constant 2 : i32
        %mul3A_83 = arith.muli %mul3A_82, %add3A_81 : i32
        %add3A_84 = arith.constant 0 : i32
        %add3A_85 = arith.addi %mul3A_83, %add3A_84 : i32
        %mul3A_86 = arith.constant 4000 : i32
        %mul3A_87 = arith.muli %add3A_85, %mul3A_86 : i32
        %add3A_88 = arith.addi %mul3A_2, %mul3A_87 : i32
        %multiple_of3A_89 = tpu.assume_multiple %add3A_88, 8 : i32
        %dma_start3A_90 = tpu.memref_slice %arg3[%multiple_of3A_89] : memref<12800000xi32, #tpu.memory_space<hbm>> -> memref<4000xi32, #tpu.memory_space<hbm>>
        %dma_start3A_91 = tpu.memref_slice %arg3[%multiple_of3A_89] : memref<12800000xi32, #tpu.memory_space<hbm>> -> memref<4000xi32, #tpu.memory_space<hbm>>
        tpu.enqueue_dma source(%dma_start3A_91 : memref<4000xi32, #tpu.memory_space<hbm>>) target(%arg6 : memref<4000xi32, #tpu.memory_space<vmem>>) target_semaphore(%arg10 : memref<!tpu.dma_semaphore, #tpu.memory_space<semaphore_mem>>)
      } else {
      }
      %gt3A_50 = arith.constant 0 : i32
      %gt3A_51 = arith.cmpi sgt, %scan3A_23, %gt3A_50 : i32
      %convert_element_type3A_52 = arith.extui %gt3A_51 : i1 to i32
      %cond3A_53 = arith.constant 0 : i32
      %cond3A_54 = arith.cmpi ne, %convert_element_type3A_52, %cond3A_53 : i32
      scf.if %cond3A_54 {
        %dma_wait3A_80 = arith.constant 0 : i32
        %dma_wait3A_81 = tpu.memref_slice %arg4[%dma_wait3A_80] : memref<6400000xf32, #tpu.memory_space<hbm>> -> memref<4000xf32, #tpu.memory_space<hbm>>
        %dma_wait3A_82 = arith.constant 0 : i32
        %dma_wait3A_83 = tpu.memref_slice %arg4[%dma_wait3A_82] : memref<6400000xf32, #tpu.memory_space<hbm>> -> memref<4000xf32, #tpu.memory_space<hbm>>
        tpu.wait_dma2 semaphore(%arg13 : memref<!tpu.dma_semaphore, #tpu.memory_space<semaphore_mem>>) src(%dma_wait3A_83 : memref<4000xf32, #tpu.memory_space<hbm>>) dst(%arg9 : memref<4000xf32, #tpu.memory_space<vmem>>)
      } else {
      }
      %dma_wait3A_55 = arith.constant 0 : i32
      %dma_wait3A_56 = tpu.memref_slice %arg3[%dma_wait3A_55] : memref<12800000xi32, #tpu.memory_space<hbm>> -> memref<4000xi32, #tpu.memory_space<hbm>>
      %dma_wait3A_57 = arith.constant 0 : i32
      %dma_wait3A_58 = tpu.memref_slice %arg3[%dma_wait3A_57] : memref<12800000xi32, #tpu.memory_space<hbm>> -> memref<4000xi32, #tpu.memory_space<hbm>>
      tpu.wait_dma2 semaphore(%arg11 : memref<!tpu.dma_semaphore, #tpu.memory_space<semaphore_mem>>) src(%dma_wait3A_58 : memref<4000xi32, #tpu.memory_space<hbm>>) dst(%arg7 : memref<4000xi32, #tpu.memory_space<vmem>>)
      %scan3A_59 = arith.constant 0 : i32
      %scan3A_60 = arith.constant 0 : i32
      %scan3A_61 = arith.constant 25 : i32
      %scan3A_62 = arith.addi %scan3A_60, %scan3A_61 : i32
      %scan3A_63 = arith.constant 1 : i32
      scf.for %scan3A_80 = %scan3A_60 to %scan3A_62 step %scan3A_63  : i32 {
        %mul3A_81 = arith.constant 10 : i32
        %mul3A_82 = arith.muli %scan3A_80, %mul3A_81 : i32
        %add3A_83 = arith.constant 0 : i32
        %add3A_84 = arith.addi %mul3A_82, %add3A_83 : i32
        %mul3A_85 = arith.constant 16 : i32
        %mul3A_86 = arith.muli %add3A_84, %mul3A_85 : i32
        %multiple_of3A_87 = tpu.assume_multiple %mul3A_86, 16 : i32
        %get3A = arith.index_cast %multiple_of3A_87 : i32 to index
        %get3A_88 = tpu.vector_load %arg7[%get3A] {strides = array<i32>} : memref<4000xi32, #tpu.memory_space<vmem>>, vector<16xi32>,
        %gather3A = tpu.vector_load_idx %arg5[%get3A_88] : memref<100000xf32, #tpu.memory_space<vmem>>[vector<16xi32>], vector<16xf32>,
        %swap3A = arith.index_cast %multiple_of3A_87 : i32 to index
        %swap3A_89 = tpu.vector_load %arg9[%swap3A] {strides = array<i32>} : memref<4000xf32, #tpu.memory_space<vmem>>, vector<16xf32>,
        tpu.vector_store %arg9[%swap3A], %gather3A {strides = array<i32>} : memref<4000xf32, #tpu.memory_space<vmem>>, vector<16xf32>,
        %mul3A_90 = arith.constant 10 : i32
        %mul3A_91 = arith.muli %scan3A_80, %mul3A_90 : i32
        %add3A_92 = arith.constant 1 : i32
        %add3A_93 = arith.addi %mul3A_91, %add3A_92 : i32
        %mul3A_94 = arith.constant 16 : i32
        %mul3A_95 = arith.muli %add3A_93, %mul3A_94 : i32
        %multiple_of3A_96 = tpu.assume_multiple %mul3A_95, 16 : i32
        %get3A_97 = arith.index_cast %multiple_of3A_96 : i32 to index
        %get3A_98 = tpu.vector_load %arg7[%get3A_97] {strides = array<i32>} : memref<4000xi32, #tpu.memory_space<vmem>>, vector<16xi32>,
        %gather3A_99 = tpu.vector_load_idx %arg5[%get3A_98] : memref<100000xf32, #tpu.memory_space<vmem>>[vector<16xi32>], vector<16xf32>,
        %swap3A_100 = arith.index_cast %multiple_of3A_96 : i32 to index
        %swap3A_101 = tpu.vector_load %arg9[%swap3A_100] {strides = array<i32>} : memref<4000xf32, #tpu.memory_space<vmem>>, vector<16xf32>,
        tpu.vector_store %arg9[%swap3A_100], %gather3A_99 {strides = array<i32>} : memref<4000xf32, #tpu.memory_space<vmem>>, vector<16xf32>,
        %mul3A_102 = arith.constant 10 : i32
        %mul3A_103 = arith.muli %scan3A_80, %mul3A_102 : i32
        %add3A_104 = arith.constant 2 : i32
        %add3A_105 = arith.addi %mul3A_103, %add3A_104 : i32
        %mul3A_106 = arith.constant 16 : i32
        %mul3A_107 = arith.muli %add3A_105, %mul3A_106 : i32
        %multiple_of3A_108 = tpu.assume_multiple %mul3A_107, 16 : i32
        %get3A_109 = arith.index_cast %multiple_of3A_108 : i32 to index
        %get3A_110 = tpu.vector_load %arg7[%get3A_109] {strides = array<i32>} : memref<4000xi32, #tpu.memory_space<vmem>>, vector<16xi32>,
        %gather3A_111 = tpu.vector_load_idx %arg5[%get3A_110] : memref<100000xf32, #tpu.memory_space<vmem>>[vector<16xi32>], vector<16xf32>,
        %swap3A_112 = arith.index_cast %multiple_of3A_108 : i32 to index
        %swap3A_113 = tpu.vector_load %arg9[%swap3A_112] {strides = array<i32>} : memref<4000xf32, #tpu.memory_space<vmem>>, vector<16xf32>,
        tpu.vector_store %arg9[%swap3A_112], %gather3A_111 {strides = array<i32>} : memref<4000xf32, #tpu.memory_space<vmem>>, vector<16xf32>,
        %mul3A_114 = arith.constant 10 : i32
        %mul3A_115 = arith.muli %scan3A_80, %mul3A_114 : i32
        %add3A_116 = arith.constant 3 : i32
        %add3A_117 = arith.addi %mul3A_115, %add3A_116 : i32
        %mul3A_118 = arith.constant 16 : i32
        %mul3A_119 = arith.muli %add3A_117, %mul3A_118 : i32
        %multiple_of3A_120 = tpu.assume_multiple %mul3A_119, 16 : i32
        %get3A_121 = arith.index_cast %multiple_of3A_120 : i32 to index
        %get3A_122 = tpu.vector_load %arg7[%get3A_121] {strides = array<i32>} : memref<4000xi32, #tpu.memory_space<vmem>>, vector<16xi32>,
        %gather3A_123 = tpu.vector_load_idx %arg5[%get3A_122] : memref<100000xf32, #tpu.memory_space<vmem>>[vector<16xi32>], vector<16xf32>,
        %swap3A_124 = arith.index_cast %multiple_of3A_120 : i32 to index
        %swap3A_125 = tpu.vector_load %arg9[%swap3A_124] {strides = array<i32>} : memref<4000xf32, #tpu.memory_space<vmem>>, vector<16xf32>,
        tpu.vector_store %arg9[%swap3A_124], %gather3A_123 {strides = array<i32>} : memref<4000xf32, #tpu.memory_space<vmem>>, vector<16xf32>,
        %mul3A_126 = arith.constant 10 : i32
        %mul3A_127 = arith.muli %scan3A_80, %mul3A_126 : i32
        %add3A_128 = arith.constant 4 : i32
        %add3A_129 = arith.addi %mul3A_127, %add3A_128 : i32
        %mul3A_130 = arith.constant 16 : i32
        %mul3A_131 = arith.muli %add3A_129, %mul3A_130 : i32
        %multiple_of3A_132 = tpu.assume_multiple %mul3A_131, 16 : i32
        %get3A_133 = arith.index_cast %multiple_of3A_132 : i32 to index
        %get3A_134 = tpu.vector_load %arg7[%get3A_133] {strides = array<i32>} : memref<4000xi32, #tpu.memory_space<vmem>>, vector<16xi32>,
        %gather3A_135 = tpu.vector_load_idx %arg5[%get3A_134] : memref<100000xf32, #tpu.memory_space<vmem>>[vector<16xi32>], vector<16xf32>,
        %swap3A_136 = arith.index_cast %multiple_of3A_132 : i32 to index
        %swap3A_137 = tpu.vector_load %arg9[%swap3A_136] {strides = array<i32>} : memref<4000xf32, #tpu.memory_space<vmem>>, vector<16xf32>,
        tpu.vector_store %arg9[%swap3A_136], %gather3A_135 {strides = array<i32>} : memref<4000xf32, #tpu.memory_space<vmem>>, vector<16xf32>,
        %mul3A_138 = arith.constant 10 : i32
        %mul3A_139 = arith.muli %scan3A_80, %mul3A_138 : i32
        %add3A_140 = arith.constant 5 : i32
        %add3A_141 = arith.addi %mul3A_139, %add3A_140 : i32
        %mul3A_142 = arith.constant 16 : i32
        %mul3A_143 = arith.muli %add3A_141, %mul3A_142 : i32
        %multiple_of3A_144 = tpu.assume_multiple %mul3A_143, 16 : i32
        %get3A_145 = arith.index_cast %multiple_of3A_144 : i32 to index
        %get3A_146 = tpu.vector_load %arg7[%get3A_145] {strides = array<i32>} : memref<4000xi32, #tpu.memory_space<vmem>>, vector<16xi32>,
        %gather3A_147 = tpu.vector_load_idx %arg5[%get3A_146] : memref<100000xf32, #tpu.memory_space<vmem>>[vector<16xi32>], vector<16xf32>,
        %swap3A_148 = arith.index_cast %multiple_of3A_144 : i32 to index
        %swap3A_149 = tpu.vector_load %arg9[%swap3A_148] {strides = array<i32>} : memref<4000xf32, #tpu.memory_space<vmem>>, vector<16xf32>,
        tpu.vector_store %arg9[%swap3A_148], %gather3A_147 {strides = array<i32>} : memref<4000xf32, #tpu.memory_space<vmem>>, vector<16xf32>,
        %mul3A_150 = arith.constant 10 : i32
        %mul3A_151 = arith.muli %scan3A_80, %mul3A_150 : i32
        %add3A_152 = arith.constant 6 : i32
        %add3A_153 = arith.addi %mul3A_151, %add3A_152 : i32
        %mul3A_154 = arith.constant 16 : i32
        %mul3A_155 = arith.muli %add3A_153, %mul3A_154 : i32
        %multiple_of3A_156 = tpu.assume_multiple %mul3A_155, 16 : i32
        %get3A_157 = arith.index_cast %multiple_of3A_156 : i32 to index
        %get3A_158 = tpu.vector_load %arg7[%get3A_157] {strides = array<i32>} : memref<4000xi32, #tpu.memory_space<vmem>>, vector<16xi32>,
        %gather3A_159 = tpu.vector_load_idx %arg5[%get3A_158] : memref<100000xf32, #tpu.memory_space<vmem>>[vector<16xi32>], vector<16xf32>,
        %swap3A_160 = arith.index_cast %multiple_of3A_156 : i32 to index
        %swap3A_161 = tpu.vector_load %arg9[%swap3A_160] {strides = array<i32>} : memref<4000xf32, #tpu.memory_space<vmem>>, vector<16xf32>,
        tpu.vector_store %arg9[%swap3A_160], %gather3A_159 {strides = array<i32>} : memref<4000xf32, #tpu.memory_space<vmem>>, vector<16xf32>,
        %mul3A_162 = arith.constant 10 : i32
        %mul3A_163 = arith.muli %scan3A_80, %mul3A_162 : i32
        %add3A_164 = arith.constant 7 : i32
        %add3A_165 = arith.addi %mul3A_163, %add3A_164 : i32
        %mul3A_166 = arith.constant 16 : i32
        %mul3A_167 = arith.muli %add3A_165, %mul3A_166 : i32
        %multiple_of3A_168 = tpu.assume_multiple %mul3A_167, 16 : i32
        %get3A_169 = arith.index_cast %multiple_of3A_168 : i32 to index
        %get3A_170 = tpu.vector_load %arg7[%get3A_169] {strides = array<i32>} : memref<4000xi32, #tpu.memory_space<vmem>>, vector<16xi32>,
        %gather3A_171 = tpu.vector_load_idx %arg5[%get3A_170] : memref<100000xf32, #tpu.memory_space<vmem>>[vector<16xi32>], vector<16xf32>,
        %swap3A_172 = arith.index_cast %multiple_of3A_168 : i32 to index
        %swap3A_173 = tpu.vector_load %arg9[%swap3A_172] {strides = array<i32>} : memref<4000xf32, #tpu.memory_space<vmem>>, vector<16xf32>,
        tpu.vector_store %arg9[%swap3A_172], %gather3A_171 {strides = array<i32>} : memref<4000xf32, #tpu.memory_space<vmem>>, vector<16xf32>,
        %mul3A_174 = arith.constant 10 : i32
        %mul3A_175 = arith.muli %scan3A_80, %mul3A_174 : i32
        %add3A_176 = arith.constant 8 : i32
        %add3A_177 = arith.addi %mul3A_175, %add3A_176 : i32
        %mul3A_178 = arith.constant 16 : i32
        %mul3A_179 = arith.muli %add3A_177, %mul3A_178 : i32
        %multiple_of3A_180 = tpu.assume_multiple %mul3A_179, 16 : i32
        %get3A_181 = arith.index_cast %multiple_of3A_180 : i32 to index
        %get3A_182 = tpu.vector_load %arg7[%get3A_181] {strides = array<i32>} : memref<4000xi32, #tpu.memory_space<vmem>>, vector<16xi32>,
        %gather3A_183 = tpu.vector_load_idx %arg5[%get3A_182] : memref<100000xf32, #tpu.memory_space<vmem>>[vector<16xi32>], vector<16xf32>,
        %swap3A_184 = arith.index_cast %multiple_of3A_180 : i32 to index
        %swap3A_185 = tpu.vector_load %arg9[%swap3A_184] {strides = array<i32>} : memref<4000xf32, #tpu.memory_space<vmem>>, vector<16xf32>,
        tpu.vector_store %arg9[%swap3A_184], %gather3A_183 {strides = array<i32>} : memref<4000xf32, #tpu.memory_space<vmem>>, vector<16xf32>,
        %mul3A_186 = arith.constant 10 : i32
        %mul3A_187 = arith.muli %scan3A_80, %mul3A_186 : i32
        %add3A_188 = arith.constant 9 : i32
        %add3A_189 = arith.addi %mul3A_187, %add3A_188 : i32
        %mul3A_190 = arith.constant 16 : i32
        %mul3A_191 = arith.muli %add3A_189, %mul3A_190 : i32
        %multiple_of3A_192 = tpu.assume_multiple %mul3A_191, 16 : i32
        %get3A_193 = arith.index_cast %multiple_of3A_192 : i32 to index
        %get3A_194 = tpu.vector_load %arg7[%get3A_193] {strides = array<i32>} : memref<4000xi32, #tpu.memory_space<vmem>>, vector<16xi32>,
        %gather3A_195 = tpu.vector_load_idx %arg5[%get3A_194] : memref<100000xf32, #tpu.memory_space<vmem>>[vector<16xi32>], vector<16xf32>,
        %swap3A_196 = arith.index_cast %multiple_of3A_192 : i32 to index
        %swap3A_197 = tpu.vector_load %arg9[%swap3A_196] {strides = array<i32>} : memref<4000xf32, #tpu.memory_space<vmem>>, vector<16xf32>,
        tpu.vector_store %arg9[%swap3A_196], %gather3A_195 {strides = array<i32>} : memref<4000xf32, #tpu.memory_space<vmem>>, vector<16xf32>,
      }
      %scan3A_64 = arith.constant 25 : i32
      %mul3A_65 = arith.constant 2 : i32
      %mul3A_66 = arith.muli %mul3A_65, %scan3A_23 : i32
      %add3A_67 = arith.constant 1 : i32
      %add3A_68 = arith.addi %mul3A_66, %add3A_67 : i32
      %mul3A_69 = arith.constant 4000 : i32
      %mul3A_70 = arith.muli %add3A_68, %mul3A_69 : i32
      %add3A_71 = arith.addi %mul3A_2, %mul3A_70 : i32
      %multiple_of3A_72 = tpu.assume_multiple %add3A_71, 8 : i32
      %dma_start3A_73 = tpu.memref_slice %arg4[%multiple_of3A_72] : memref<6400000xf32, #tpu.memory_space<hbm>> -> memref<4000xf32, #tpu.memory_space<hbm>>
      %dma_start3A_74 = tpu.memref_slice %arg4[%multiple_of3A_72] : memref<6400000xf32, #tpu.memory_space<hbm>> -> memref<4000xf32, #tpu.memory_space<hbm>>
      tpu.enqueue_dma source(%arg9 : memref<4000xf32, #tpu.memory_space<vmem>>) target(%dma_start3A_74 : memref<4000xf32, #tpu.memory_space<hbm>>) target_semaphore(%arg13 : memref<!tpu.dma_semaphore, #tpu.memory_space<semaphore_mem>>)
      %lt3A_75 = arith.constant 24 : i32
      %lt3A_76 = arith.cmpi slt, %scan3A_23, %lt3A_75 : i32
      %convert_element_type3A_77 = arith.extui %lt3A_76 : i1 to i32
      %cond3A_78 = arith.constant 0 : i32
      %cond3A_79 = arith.cmpi ne, %convert_element_type3A_77, %cond3A_78 : i32
      scf.if %cond3A_79 {
        %add3A_80 = arith.constant 1 : i32
        %add3A_81 = arith.addi %scan3A_23, %add3A_80 : i32
        %mul3A_82 = arith.constant 2 : i32
        %mul3A_83 = arith.muli %mul3A_82, %add3A_81 : i32
        %add3A_84 = arith.constant 1 : i32
        %add3A_85 = arith.addi %mul3A_83, %add3A_84 : i32
        %mul3A_86 = arith.constant 4000 : i32
        %mul3A_87 = arith.muli %add3A_85, %mul3A_86 : i32
        %add3A_88 = arith.addi %mul3A_2, %mul3A_87 : i32
        %multiple_of3A_89 = tpu.assume_multiple %add3A_88, 8 : i32
        %dma_start3A_90 = tpu.memref_slice %arg3[%multiple_of3A_89] : memref<12800000xi32, #tpu.memory_space<hbm>> -> memref<4000xi32, #tpu.memory_space<hbm>>
        %dma_start3A_91 = tpu.memref_slice %arg3[%multiple_of3A_89] : memref<12800000xi32, #tpu.memory_space<hbm>> -> memref<4000xi32, #tpu.memory_space<hbm>>
        tpu.enqueue_dma source(%dma_start3A_91 : memref<4000xi32, #tpu.memory_space<hbm>>) target(%arg7 : memref<4000xi32, #tpu.memory_space<vmem>>) target_semaphore(%arg11 : memref<!tpu.dma_semaphore, #tpu.memory_space<semaphore_mem>>)
      } else {
      }
    }
    %scan3A_15 = arith.constant 25 : i32
    %dma_wait3A = arith.constant 0 : i32
    %dma_wait3A_16 = tpu.memref_slice %arg4[%dma_wait3A] : memref<6400000xf32, #tpu.memory_space<hbm>> -> memref<4000xf32, #tpu.memory_space<hbm>>
    %dma_wait3A_17 = arith.constant 0 : i32
    %dma_wait3A_18 = tpu.memref_slice %arg4[%dma_wait3A_17] : memref<6400000xf32, #tpu.memory_space<hbm>> -> memref<4000xf32, #tpu.memory_space<hbm>>
    tpu.wait_dma2 semaphore(%arg12 : memref<!tpu.dma_semaphore, #tpu.memory_space<semaphore_mem>>) src(%dma_wait3A_18 : memref<4000xf32, #tpu.memory_space<hbm>>) dst(%arg8 : memref<4000xf32, #tpu.memory_space<vmem>>)
    %dma_wait3A_19 = arith.constant 0 : i32
    %dma_wait3A_20 = tpu.memref_slice %arg4[%dma_wait3A_19] : memref<6400000xf32, #tpu.memory_space<hbm>> -> memref<4000xf32, #tpu.memory_space<hbm>>
    %dma_wait3A_21 = arith.constant 0 : i32
    %dma_wait3A_22 = tpu.memref_slice %arg4[%dma_wait3A_21] : memref<6400000xf32, #tpu.memory_space<hbm>> -> memref<4000xf32, #tpu.memory_space<hbm>>
    tpu.wait_dma2 semaphore(%arg13 : memref<!tpu.dma_semaphore, #tpu.memory_space<semaphore_mem>>) src(%dma_wait3A_22 : memref<4000xf32, #tpu.memory_space<hbm>>) dst(%arg9 : memref<4000xf32, #tpu.memory_space<vmem>>)
    return
  }
}

#map = affine_map<(d0, d1) -> (0)>
#map1 = affine_map<(d0, d1) -> (0, 0)>
module attributes {stable_mosaic.version = 14 : i64} {
  func.func @_scatter_kernel(%arg0: i32, %arg1: i32, %arg2: memref<12800000xi32, #tpu.memory_space<hbm>>, %arg3: memref<6400000xf32, #tpu.memory_space<hbm>>, %arg4: memref<32x100352xf32, #tpu.memory_space<hbm>>, %arg5: memref<100352xf32, #tpu.memory_space<vmem>>, %arg6: memref<4000xi32, #tpu.memory_space<vmem>>, %arg7: memref<4000xi32, #tpu.memory_space<vmem>>, %arg8: memref<4000xf32, #tpu.memory_space<vmem>>, %arg9: memref<4000xf32, #tpu.memory_space<vmem>>, %arg10: memref<!tpu.dma_semaphore, #tpu.memory_space<semaphore_mem>>, %arg11: memref<!tpu.dma_semaphore, #tpu.memory_space<semaphore_mem>>) attributes {dimension_semantics = [#tpu.dimension_semantics<core_parallel>, #tpu.dimension_semantics<subcore_parallel>], iteration_bounds = array<i64: 2, 16>, scalar_prefetch = 0 : i64, scratch_operands = 7 : i64, tpu.core_type = #tpu.core_type<sc_vector_subcore>, window_params = [{transform_indices = #map}, {transform_indices = #map}, {transform_indices = #map1}]} {
    %mul3A = arith.constant 16 : i32
    %mul3A_0 = arith.muli %arg0, %mul3A : i32
    %add3A = arith.addi %mul3A_0, %arg1 : i32
    %mul3A_1 = arith.constant 200000 : i32
    %mul3A_2 = arith.muli %add3A, %mul3A_1 : i32
    %add3A_3 = arith.constant 0 : i32
    %add3A_4 = arith.addi %mul3A_2, %add3A_3 : i32
    %multiple_of3A = tpu.assume_multiple %add3A_4, 8 : i32
    %add3A_5 = arith.constant 6400000 : i32
    %add3A_6 = arith.addi %add3A_5, %multiple_of3A : i32
    %dma_start3A = tpu.memref_slice %arg2[%add3A_6] : memref<12800000xi32, #tpu.memory_space<hbm>> -> memref<4000xi32, #tpu.memory_space<hbm>>
    %dma_start3A_7 = tpu.memref_slice %arg2[%add3A_6] : memref<12800000xi32, #tpu.memory_space<hbm>> -> memref<4000xi32, #tpu.memory_space<hbm>>
    tpu.enqueue_dma source(%dma_start3A_7 : memref<4000xi32, #tpu.memory_space<hbm>>) target(%arg6 : memref<4000xi32, #tpu.memory_space<vmem>>) target_semaphore(%arg10 : memref<!tpu.dma_semaphore, #tpu.memory_space<semaphore_mem>>)
    %dma_start3A_8 = tpu.memref_slice %arg3[%multiple_of3A] : memref<6400000xf32, #tpu.memory_space<hbm>> -> memref<4000xf32, #tpu.memory_space<hbm>>
    %dma_start3A_9 = tpu.memref_slice %arg3[%multiple_of3A] : memref<6400000xf32, #tpu.memory_space<hbm>> -> memref<4000xf32, #tpu.memory_space<hbm>>
    tpu.enqueue_dma source(%dma_start3A_9 : memref<4000xf32, #tpu.memory_space<hbm>>) target(%arg8 : memref<4000xf32, #tpu.memory_space<vmem>>) target_semaphore(%arg10 : memref<!tpu.dma_semaphore, #tpu.memory_space<semaphore_mem>>)
    %add3A_10 = arith.constant 4000 : i32
    %add3A_11 = arith.addi %mul3A_2, %add3A_10 : i32
    %multiple_of3A_12 = tpu.assume_multiple %add3A_11, 8 : i32
    %add3A_13 = arith.constant 6400000 : i32
    %add3A_14 = arith.addi %add3A_13, %multiple_of3A_12 : i32
    %dma_start3A_15 = tpu.memref_slice %arg2[%add3A_14] : memref<12800000xi32, #tpu.memory_space<hbm>> -> memref<4000xi32, #tpu.memory_space<hbm>>
    %dma_start3A_16 = tpu.memref_slice %arg2[%add3A_14] : memref<12800000xi32, #tpu.memory_space<hbm>> -> memref<4000xi32, #tpu.memory_space<hbm>>
    tpu.enqueue_dma source(%dma_start3A_16 : memref<4000xi32, #tpu.memory_space<hbm>>) target(%arg7 : memref<4000xi32, #tpu.memory_space<vmem>>) target_semaphore(%arg11 : memref<!tpu.dma_semaphore, #tpu.memory_space<semaphore_mem>>)
    %dma_start3A_17 = tpu.memref_slice %arg3[%multiple_of3A_12] : memref<6400000xf32, #tpu.memory_space<hbm>> -> memref<4000xf32, #tpu.memory_space<hbm>>
    %dma_start3A_18 = tpu.memref_slice %arg3[%multiple_of3A_12] : memref<6400000xf32, #tpu.memory_space<hbm>> -> memref<4000xf32, #tpu.memory_space<hbm>>
    tpu.enqueue_dma source(%dma_start3A_18 : memref<4000xf32, #tpu.memory_space<hbm>>) target(%arg9 : memref<4000xf32, #tpu.memory_space<vmem>>) target_semaphore(%arg11 : memref<!tpu.dma_semaphore, #tpu.memory_space<semaphore_mem>>)
    %scan3A = arith.constant 0 : i32
    %scan3A_19 = arith.constant 0 : i32
    %scan3A_20 = arith.constant 784 : i32
    %scan3A_21 = arith.addi %scan3A_19, %scan3A_20 : i32
    %scan3A_22 = arith.constant 1 : i32
    scf.for %scan3A_30 = %scan3A_19 to %scan3A_21 step %scan3A_22  : i32 {
      %mul3A_31 = arith.constant 8 : i32
      %mul3A_32 = arith.muli %scan3A_30, %mul3A_31 : i32
      %add3A_33 = arith.constant 0 : i32
      %add3A_34 = arith.addi %mul3A_32, %add3A_33 : i32
      %mul3A_35 = arith.constant 16 : i32
      %mul3A_36 = arith.muli %add3A_34, %mul3A_35 : i32
      %multiple_of3A_37 = tpu.assume_multiple %mul3A_36, 16 : i32
      %broadcast_in_dim3A = arith.constant 0.000000e+00 : f32
      %broadcast_in_dim3A_38 = vector.broadcast %broadcast_in_dim3A : f32 to vector<16xf32>
      %swap3A = arith.index_cast %multiple_of3A_37 : i32 to index
      %swap3A_39 = tpu.vector_load %arg5[%swap3A] {strides = array<i32>} : memref<100352xf32, #tpu.memory_space<vmem>>, vector<16xf32>,
      tpu.vector_store %arg5[%swap3A], %broadcast_in_dim3A_38 {strides = array<i32>} : memref<100352xf32, #tpu.memory_space<vmem>>, vector<16xf32>,
      %mul3A_40 = arith.constant 8 : i32
      %mul3A_41 = arith.muli %scan3A_30, %mul3A_40 : i32
      %add3A_42 = arith.constant 1 : i32
      %add3A_43 = arith.addi %mul3A_41, %add3A_42 : i32
      %mul3A_44 = arith.constant 16 : i32
      %mul3A_45 = arith.muli %add3A_43, %mul3A_44 : i32
      %multiple_of3A_46 = tpu.assume_multiple %mul3A_45, 16 : i32
      %broadcast_in_dim3A_47 = arith.constant 0.000000e+00 : f32
      %broadcast_in_dim3A_48 = vector.broadcast %broadcast_in_dim3A_47 : f32 to vector<16xf32>
      %swap3A_49 = arith.index_cast %multiple_of3A_46 : i32 to index
      %swap3A_50 = tpu.vector_load %arg5[%swap3A_49] {strides = array<i32>} : memref<100352xf32, #tpu.memory_space<vmem>>, vector<16xf32>,
      tpu.vector_store %arg5[%swap3A_49], %broadcast_in_dim3A_48 {strides = array<i32>} : memref<100352xf32, #tpu.memory_space<vmem>>, vector<16xf32>,
      %mul3A_51 = arith.constant 8 : i32
      %mul3A_52 = arith.muli %scan3A_30, %mul3A_51 : i32
      %add3A_53 = arith.constant 2 : i32
      %add3A_54 = arith.addi %mul3A_52, %add3A_53 : i32
      %mul3A_55 = arith.constant 16 : i32
      %mul3A_56 = arith.muli %add3A_54, %mul3A_55 : i32
      %multiple_of3A_57 = tpu.assume_multiple %mul3A_56, 16 : i32
      %broadcast_in_dim3A_58 = arith.constant 0.000000e+00 : f32
      %broadcast_in_dim3A_59 = vector.broadcast %broadcast_in_dim3A_58 : f32 to vector<16xf32>
      %swap3A_60 = arith.index_cast %multiple_of3A_57 : i32 to index
      %swap3A_61 = tpu.vector_load %arg5[%swap3A_60] {strides = array<i32>} : memref<100352xf32, #tpu.memory_space<vmem>>, vector<16xf32>,
      tpu.vector_store %arg5[%swap3A_60], %broadcast_in_dim3A_59 {strides = array<i32>} : memref<100352xf32, #tpu.memory_space<vmem>>, vector<16xf32>,
      %mul3A_62 = arith.constant 8 : i32
      %mul3A_63 = arith.muli %scan3A_30, %mul3A_62 : i32
      %add3A_64 = arith.constant 3 : i32
      %add3A_65 = arith.addi %mul3A_63, %add3A_64 : i32
      %mul3A_66 = arith.constant 16 : i32
      %mul3A_67 = arith.muli %add3A_65, %mul3A_66 : i32
      %multiple_of3A_68 = tpu.assume_multiple %mul3A_67, 16 : i32
      %broadcast_in_dim3A_69 = arith.constant 0.000000e+00 : f32
      %broadcast_in_dim3A_70 = vector.broadcast %broadcast_in_dim3A_69 : f32 to vector<16xf32>
      %swap3A_71 = arith.index_cast %multiple_of3A_68 : i32 to index
      %swap3A_72 = tpu.vector_load %arg5[%swap3A_71] {strides = array<i32>} : memref<100352xf32, #tpu.memory_space<vmem>>, vector<16xf32>,
      tpu.vector_store %arg5[%swap3A_71], %broadcast_in_dim3A_70 {strides = array<i32>} : memref<100352xf32, #tpu.memory_space<vmem>>, vector<16xf32>,
      %mul3A_73 = arith.constant 8 : i32
      %mul3A_74 = arith.muli %scan3A_30, %mul3A_73 : i32
      %add3A_75 = arith.constant 4 : i32
      %add3A_76 = arith.addi %mul3A_74, %add3A_75 : i32
      %mul3A_77 = arith.constant 16 : i32
      %mul3A_78 = arith.muli %add3A_76, %mul3A_77 : i32
      %multiple_of3A_79 = tpu.assume_multiple %mul3A_78, 16 : i32
      %broadcast_in_dim3A_80 = arith.constant 0.000000e+00 : f32
      %broadcast_in_dim3A_81 = vector.broadcast %broadcast_in_dim3A_80 : f32 to vector<16xf32>
      %swap3A_82 = arith.index_cast %multiple_of3A_79 : i32 to index
      %swap3A_83 = tpu.vector_load %arg5[%swap3A_82] {strides = array<i32>} : memref<100352xf32, #tpu.memory_space<vmem>>, vector<16xf32>,
      tpu.vector_store %arg5[%swap3A_82], %broadcast_in_dim3A_81 {strides = array<i32>} : memref<100352xf32, #tpu.memory_space<vmem>>, vector<16xf32>,
      %mul3A_84 = arith.constant 8 : i32
      %mul3A_85 = arith.muli %scan3A_30, %mul3A_84 : i32
      %add3A_86 = arith.constant 5 : i32
      %add3A_87 = arith.addi %mul3A_85, %add3A_86 : i32
      %mul3A_88 = arith.constant 16 : i32
      %mul3A_89 = arith.muli %add3A_87, %mul3A_88 : i32
      %multiple_of3A_90 = tpu.assume_multiple %mul3A_89, 16 : i32
      %broadcast_in_dim3A_91 = arith.constant 0.000000e+00 : f32
      %broadcast_in_dim3A_92 = vector.broadcast %broadcast_in_dim3A_91 : f32 to vector<16xf32>
      %swap3A_93 = arith.index_cast %multiple_of3A_90 : i32 to index
      %swap3A_94 = tpu.vector_load %arg5[%swap3A_93] {strides = array<i32>} : memref<100352xf32, #tpu.memory_space<vmem>>, vector<16xf32>,
      tpu.vector_store %arg5[%swap3A_93], %broadcast_in_dim3A_92 {strides = array<i32>} : memref<100352xf32, #tpu.memory_space<vmem>>, vector<16xf32>,
      %mul3A_95 = arith.constant 8 : i32
      %mul3A_96 = arith.muli %scan3A_30, %mul3A_95 : i32
      %add3A_97 = arith.constant 6 : i32
      %add3A_98 = arith.addi %mul3A_96, %add3A_97 : i32
      %mul3A_99 = arith.constant 16 : i32
      %mul3A_100 = arith.muli %add3A_98, %mul3A_99 : i32
      %multiple_of3A_101 = tpu.assume_multiple %mul3A_100, 16 : i32
      %broadcast_in_dim3A_102 = arith.constant 0.000000e+00 : f32
      %broadcast_in_dim3A_103 = vector.broadcast %broadcast_in_dim3A_102 : f32 to vector<16xf32>
      %swap3A_104 = arith.index_cast %multiple_of3A_101 : i32 to index
      %swap3A_105 = tpu.vector_load %arg5[%swap3A_104] {strides = array<i32>} : memref<100352xf32, #tpu.memory_space<vmem>>, vector<16xf32>,
      tpu.vector_store %arg5[%swap3A_104], %broadcast_in_dim3A_103 {strides = array<i32>} : memref<100352xf32, #tpu.memory_space<vmem>>, vector<16xf32>,
      %mul3A_106 = arith.constant 8 : i32
      %mul3A_107 = arith.muli %scan3A_30, %mul3A_106 : i32
      %add3A_108 = arith.constant 7 : i32
      %add3A_109 = arith.addi %mul3A_107, %add3A_108 : i32
      %mul3A_110 = arith.constant 16 : i32
      %mul3A_111 = arith.muli %add3A_109, %mul3A_110 : i32
      %multiple_of3A_112 = tpu.assume_multiple %mul3A_111, 16 : i32
      %broadcast_in_dim3A_113 = arith.constant 0.000000e+00 : f32
      %broadcast_in_dim3A_114 = vector.broadcast %broadcast_in_dim3A_113 : f32 to vector<16xf32>
      %swap3A_115 = arith.index_cast %multiple_of3A_112 : i32 to index
      %swap3A_116 = tpu.vector_load %arg5[%swap3A_115] {strides = array<i32>} : memref<100352xf32, #tpu.memory_space<vmem>>, vector<16xf32>,
      tpu.vector_store %arg5[%swap3A_115], %broadcast_in_dim3A_114 {strides = array<i32>} : memref<100352xf32, #tpu.memory_space<vmem>>, vector<16xf32>,
    }
    %scan3A_23 = arith.constant 784 : i32
    %scan3A_24 = arith.constant 0 : i32
    %scan3A_25 = arith.constant 0 : i32
    %scan3A_26 = arith.constant 25 : i32
    %scan3A_27 = arith.addi %scan3A_25, %scan3A_26 : i32
    %scan3A_28 = arith.constant 1 : i32
    scf.for %scan3A_30 = %scan3A_25 to %scan3A_27 step %scan3A_28  : i32 {
      %dma_wait3A = arith.constant 0 : i32
      %dma_wait3A_31 = tpu.memref_slice %arg2[%dma_wait3A] : memref<12800000xi32, #tpu.memory_space<hbm>> -> memref<4000xi32, #tpu.memory_space<hbm>>
      %dma_wait3A_32 = arith.constant 0 : i32
      %dma_wait3A_33 = tpu.memref_slice %arg2[%dma_wait3A_32] : memref<12800000xi32, #tpu.memory_space<hbm>> -> memref<4000xi32, #tpu.memory_space<hbm>>
      tpu.wait_dma2 semaphore(%arg10 : memref<!tpu.dma_semaphore, #tpu.memory_space<semaphore_mem>>) src(%dma_wait3A_33 : memref<4000xi32, #tpu.memory_space<hbm>>) dst(%arg6 : memref<4000xi32, #tpu.memory_space<vmem>>)
      %dma_wait3A_34 = arith.constant 0 : i32
      %dma_wait3A_35 = tpu.memref_slice %arg3[%dma_wait3A_34] : memref<6400000xf32, #tpu.memory_space<hbm>> -> memref<4000xf32, #tpu.memory_space<hbm>>
      %dma_wait3A_36 = arith.constant 0 : i32
      %dma_wait3A_37 = tpu.memref_slice %arg3[%dma_wait3A_36] : memref<6400000xf32, #tpu.memory_space<hbm>> -> memref<4000xf32, #tpu.memory_space<hbm>>
      tpu.wait_dma2 semaphore(%arg10 : memref<!tpu.dma_semaphore, #tpu.memory_space<semaphore_mem>>) src(%dma_wait3A_37 : memref<4000xf32, #tpu.memory_space<hbm>>) dst(%arg8 : memref<4000xf32, #tpu.memory_space<vmem>>)
      %scan3A_38 = arith.constant 0 : i32
      %scan3A_39 = arith.constant 0 : i32
      %scan3A_40 = arith.constant 25 : i32
      %scan3A_41 = arith.addi %scan3A_39, %scan3A_40 : i32
      %scan3A_42 = arith.constant 1 : i32
      scf.for %scan3A_65 = %scan3A_39 to %scan3A_41 step %scan3A_42  : i32 {
        %mul3A_66 = arith.constant 10 : i32
        %mul3A_67 = arith.muli %scan3A_65, %mul3A_66 : i32
        %add3A_68 = arith.constant 0 : i32
        %add3A_69 = arith.addi %mul3A_67, %add3A_68 : i32
        %mul3A_70 = arith.constant 16 : i32
        %mul3A_71 = arith.muli %add3A_69, %mul3A_70 : i32
        %multiple_of3A_72 = tpu.assume_multiple %mul3A_71, 16 : i32
        %get3A = arith.index_cast %multiple_of3A_72 : i32 to index
        %get3A_73 = tpu.vector_load %arg6[%get3A] {strides = array<i32>} : memref<4000xi32, #tpu.memory_space<vmem>>, vector<16xi32>,
        %get3A_74 = arith.index_cast %multiple_of3A_72 : i32 to index
        %get3A_75 = tpu.vector_load %arg8[%get3A_74] {strides = array<i32>} : memref<4000xf32, #tpu.memory_space<vmem>>, vector<16xf32>,
        tpu.vector_store_idx %arg5[%get3A_73], %get3A_75 {add = true} : memref<100352xf32, #tpu.memory_space<vmem>>[vector<16xi32>], vector<16xf32>,
        %mul3A_76 = arith.constant 10 : i32
        %mul3A_77 = arith.muli %scan3A_65, %mul3A_76 : i32
        %add3A_78 = arith.constant 1 : i32
        %add3A_79 = arith.addi %mul3A_77, %add3A_78 : i32
        %mul3A_80 = arith.constant 16 : i32
        %mul3A_81 = arith.muli %add3A_79, %mul3A_80 : i32
        %multiple_of3A_82 = tpu.assume_multiple %mul3A_81, 16 : i32
        %get3A_83 = arith.index_cast %multiple_of3A_82 : i32 to index
        %get3A_84 = tpu.vector_load %arg6[%get3A_83] {strides = array<i32>} : memref<4000xi32, #tpu.memory_space<vmem>>, vector<16xi32>,
        %get3A_85 = arith.index_cast %multiple_of3A_82 : i32 to index
        %get3A_86 = tpu.vector_load %arg8[%get3A_85] {strides = array<i32>} : memref<4000xf32, #tpu.memory_space<vmem>>, vector<16xf32>,
        tpu.vector_store_idx %arg5[%get3A_84], %get3A_86 {add = true} : memref<100352xf32, #tpu.memory_space<vmem>>[vector<16xi32>], vector<16xf32>,
        %mul3A_87 = arith.constant 10 : i32
        %mul3A_88 = arith.muli %scan3A_65, %mul3A_87 : i32
        %add3A_89 = arith.constant 2 : i32
        %add3A_90 = arith.addi %mul3A_88, %add3A_89 : i32
        %mul3A_91 = arith.constant 16 : i32
        %mul3A_92 = arith.muli %add3A_90, %mul3A_91 : i32
        %multiple_of3A_93 = tpu.assume_multiple %mul3A_92, 16 : i32
        %get3A_94 = arith.index_cast %multiple_of3A_93 : i32 to index
        %get3A_95 = tpu.vector_load %arg6[%get3A_94] {strides = array<i32>} : memref<4000xi32, #tpu.memory_space<vmem>>, vector<16xi32>,
        %get3A_96 = arith.index_cast %multiple_of3A_93 : i32 to index
        %get3A_97 = tpu.vector_load %arg8[%get3A_96] {strides = array<i32>} : memref<4000xf32, #tpu.memory_space<vmem>>, vector<16xf32>,
        tpu.vector_store_idx %arg5[%get3A_95], %get3A_97 {add = true} : memref<100352xf32, #tpu.memory_space<vmem>>[vector<16xi32>], vector<16xf32>,
        %mul3A_98 = arith.constant 10 : i32
        %mul3A_99 = arith.muli %scan3A_65, %mul3A_98 : i32
        %add3A_100 = arith.constant 3 : i32
        %add3A_101 = arith.addi %mul3A_99, %add3A_100 : i32
        %mul3A_102 = arith.constant 16 : i32
        %mul3A_103 = arith.muli %add3A_101, %mul3A_102 : i32
        %multiple_of3A_104 = tpu.assume_multiple %mul3A_103, 16 : i32
        %get3A_105 = arith.index_cast %multiple_of3A_104 : i32 to index
        %get3A_106 = tpu.vector_load %arg6[%get3A_105] {strides = array<i32>} : memref<4000xi32, #tpu.memory_space<vmem>>, vector<16xi32>,
        %get3A_107 = arith.index_cast %multiple_of3A_104 : i32 to index
        %get3A_108 = tpu.vector_load %arg8[%get3A_107] {strides = array<i32>} : memref<4000xf32, #tpu.memory_space<vmem>>, vector<16xf32>,
        tpu.vector_store_idx %arg5[%get3A_106], %get3A_108 {add = true} : memref<100352xf32, #tpu.memory_space<vmem>>[vector<16xi32>], vector<16xf32>,
        %mul3A_109 = arith.constant 10 : i32
        %mul3A_110 = arith.muli %scan3A_65, %mul3A_109 : i32
        %add3A_111 = arith.constant 4 : i32
        %add3A_112 = arith.addi %mul3A_110, %add3A_111 : i32
        %mul3A_113 = arith.constant 16 : i32
        %mul3A_114 = arith.muli %add3A_112, %mul3A_113 : i32
        %multiple_of3A_115 = tpu.assume_multiple %mul3A_114, 16 : i32
        %get3A_116 = arith.index_cast %multiple_of3A_115 : i32 to index
        %get3A_117 = tpu.vector_load %arg6[%get3A_116] {strides = array<i32>} : memref<4000xi32, #tpu.memory_space<vmem>>, vector<16xi32>,
        %get3A_118 = arith.index_cast %multiple_of3A_115 : i32 to index
        %get3A_119 = tpu.vector_load %arg8[%get3A_118] {strides = array<i32>} : memref<4000xf32, #tpu.memory_space<vmem>>, vector<16xf32>,
        tpu.vector_store_idx %arg5[%get3A_117], %get3A_119 {add = true} : memref<100352xf32, #tpu.memory_space<vmem>>[vector<16xi32>], vector<16xf32>,
        %mul3A_120 = arith.constant 10 : i32
        %mul3A_121 = arith.muli %scan3A_65, %mul3A_120 : i32
        %add3A_122 = arith.constant 5 : i32
        %add3A_123 = arith.addi %mul3A_121, %add3A_122 : i32
        %mul3A_124 = arith.constant 16 : i32
        %mul3A_125 = arith.muli %add3A_123, %mul3A_124 : i32
        %multiple_of3A_126 = tpu.assume_multiple %mul3A_125, 16 : i32
        %get3A_127 = arith.index_cast %multiple_of3A_126 : i32 to index
        %get3A_128 = tpu.vector_load %arg6[%get3A_127] {strides = array<i32>} : memref<4000xi32, #tpu.memory_space<vmem>>, vector<16xi32>,
        %get3A_129 = arith.index_cast %multiple_of3A_126 : i32 to index
        %get3A_130 = tpu.vector_load %arg8[%get3A_129] {strides = array<i32>} : memref<4000xf32, #tpu.memory_space<vmem>>, vector<16xf32>,
        tpu.vector_store_idx %arg5[%get3A_128], %get3A_130 {add = true} : memref<100352xf32, #tpu.memory_space<vmem>>[vector<16xi32>], vector<16xf32>,
        %mul3A_131 = arith.constant 10 : i32
        %mul3A_132 = arith.muli %scan3A_65, %mul3A_131 : i32
        %add3A_133 = arith.constant 6 : i32
        %add3A_134 = arith.addi %mul3A_132, %add3A_133 : i32
        %mul3A_135 = arith.constant 16 : i32
        %mul3A_136 = arith.muli %add3A_134, %mul3A_135 : i32
        %multiple_of3A_137 = tpu.assume_multiple %mul3A_136, 16 : i32
        %get3A_138 = arith.index_cast %multiple_of3A_137 : i32 to index
        %get3A_139 = tpu.vector_load %arg6[%get3A_138] {strides = array<i32>} : memref<4000xi32, #tpu.memory_space<vmem>>, vector<16xi32>,
        %get3A_140 = arith.index_cast %multiple_of3A_137 : i32 to index
        %get3A_141 = tpu.vector_load %arg8[%get3A_140] {strides = array<i32>} : memref<4000xf32, #tpu.memory_space<vmem>>, vector<16xf32>,
        tpu.vector_store_idx %arg5[%get3A_139], %get3A_141 {add = true} : memref<100352xf32, #tpu.memory_space<vmem>>[vector<16xi32>], vector<16xf32>,
        %mul3A_142 = arith.constant 10 : i32
        %mul3A_143 = arith.muli %scan3A_65, %mul3A_142 : i32
        %add3A_144 = arith.constant 7 : i32
        %add3A_145 = arith.addi %mul3A_143, %add3A_144 : i32
        %mul3A_146 = arith.constant 16 : i32
        %mul3A_147 = arith.muli %add3A_145, %mul3A_146 : i32
        %multiple_of3A_148 = tpu.assume_multiple %mul3A_147, 16 : i32
        %get3A_149 = arith.index_cast %multiple_of3A_148 : i32 to index
        %get3A_150 = tpu.vector_load %arg6[%get3A_149] {strides = array<i32>} : memref<4000xi32, #tpu.memory_space<vmem>>, vector<16xi32>,
        %get3A_151 = arith.index_cast %multiple_of3A_148 : i32 to index
        %get3A_152 = tpu.vector_load %arg8[%get3A_151] {strides = array<i32>} : memref<4000xf32, #tpu.memory_space<vmem>>, vector<16xf32>,
        tpu.vector_store_idx %arg5[%get3A_150], %get3A_152 {add = true} : memref<100352xf32, #tpu.memory_space<vmem>>[vector<16xi32>], vector<16xf32>,
        %mul3A_153 = arith.constant 10 : i32
        %mul3A_154 = arith.muli %scan3A_65, %mul3A_153 : i32
        %add3A_155 = arith.constant 8 : i32
        %add3A_156 = arith.addi %mul3A_154, %add3A_155 : i32
        %mul3A_157 = arith.constant 16 : i32
        %mul3A_158 = arith.muli %add3A_156, %mul3A_157 : i32
        %multiple_of3A_159 = tpu.assume_multiple %mul3A_158, 16 : i32
        %get3A_160 = arith.index_cast %multiple_of3A_159 : i32 to index
        %get3A_161 = tpu.vector_load %arg6[%get3A_160] {strides = array<i32>} : memref<4000xi32, #tpu.memory_space<vmem>>, vector<16xi32>,
        %get3A_162 = arith.index_cast %multiple_of3A_159 : i32 to index
        %get3A_163 = tpu.vector_load %arg8[%get3A_162] {strides = array<i32>} : memref<4000xf32, #tpu.memory_space<vmem>>, vector<16xf32>,
        tpu.vector_store_idx %arg5[%get3A_161], %get3A_163 {add = true} : memref<100352xf32, #tpu.memory_space<vmem>>[vector<16xi32>], vector<16xf32>,
        %mul3A_164 = arith.constant 10 : i32
        %mul3A_165 = arith.muli %scan3A_65, %mul3A_164 : i32
        %add3A_166 = arith.constant 9 : i32
        %add3A_167 = arith.addi %mul3A_165, %add3A_166 : i32
        %mul3A_168 = arith.constant 16 : i32
        %mul3A_169 = arith.muli %add3A_167, %mul3A_168 : i32
        %multiple_of3A_170 = tpu.assume_multiple %mul3A_169, 16 : i32
        %get3A_171 = arith.index_cast %multiple_of3A_170 : i32 to index
        %get3A_172 = tpu.vector_load %arg6[%get3A_171] {strides = array<i32>} : memref<4000xi32, #tpu.memory_space<vmem>>, vector<16xi32>,
        %get3A_173 = arith.index_cast %multiple_of3A_170 : i32 to index
        %get3A_174 = tpu.vector_load %arg8[%get3A_173] {strides = array<i32>} : memref<4000xf32, #tpu.memory_space<vmem>>, vector<16xf32>,
        tpu.vector_store_idx %arg5[%get3A_172], %get3A_174 {add = true} : memref<100352xf32, #tpu.memory_space<vmem>>[vector<16xi32>], vector<16xf32>,
      }
      %scan3A_43 = arith.constant 25 : i32
      %lt3A = arith.constant 24 : i32
      %lt3A_44 = arith.cmpi slt, %scan3A_30, %lt3A : i32
      %convert_element_type3A = arith.extui %lt3A_44 : i1 to i32
      %cond3A = arith.constant 0 : i32
      %cond3A_45 = arith.cmpi ne, %convert_element_type3A, %cond3A : i32
      scf.if %cond3A_45 {
        %add3A_65 = arith.constant 1 : i32
        %add3A_66 = arith.addi %scan3A_30, %add3A_65 : i32
        %mul3A_67 = arith.constant 2 : i32
        %mul3A_68 = arith.muli %mul3A_67, %add3A_66 : i32
        %add3A_69 = arith.constant 0 : i32
        %add3A_70 = arith.addi %mul3A_68, %add3A_69 : i32
        %mul3A_71 = arith.constant 4000 : i32
        %mul3A_72 = arith.muli %add3A_70, %mul3A_71 : i32
        %add3A_73 = arith.addi %mul3A_2, %mul3A_72 : i32
        %multiple_of3A_74 = tpu.assume_multiple %add3A_73, 8 : i32
        %add3A_75 = arith.constant 6400000 : i32
        %add3A_76 = arith.addi %add3A_75, %multiple_of3A_74 : i32
        %dma_start3A_77 = tpu.memref_slice %arg2[%add3A_76] : memref<12800000xi32, #tpu.memory_space<hbm>> -> memref<4000xi32, #tpu.memory_space<hbm>>
        %dma_start3A_78 = tpu.memref_slice %arg2[%add3A_76] : memref<12800000xi32, #tpu.memory_space<hbm>> -> memref<4000xi32, #tpu.memory_space<hbm>>
        tpu.enqueue_dma source(%dma_start3A_78 : memref<4000xi32, #tpu.memory_space<hbm>>) target(%arg6 : memref<4000xi32, #tpu.memory_space<vmem>>) target_semaphore(%arg10 : memref<!tpu.dma_semaphore, #tpu.memory_space<semaphore_mem>>)
        %dma_start3A_79 = tpu.memref_slice %arg3[%multiple_of3A_74] : memref<6400000xf32, #tpu.memory_space<hbm>> -> memref<4000xf32, #tpu.memory_space<hbm>>
        %dma_start3A_80 = tpu.memref_slice %arg3[%multiple_of3A_74] : memref<6400000xf32, #tpu.memory_space<hbm>> -> memref<4000xf32, #tpu.memory_space<hbm>>
        tpu.enqueue_dma source(%dma_start3A_80 : memref<4000xf32, #tpu.memory_space<hbm>>) target(%arg8 : memref<4000xf32, #tpu.memory_space<vmem>>) target_semaphore(%arg10 : memref<!tpu.dma_semaphore, #tpu.memory_space<semaphore_mem>>)
      } else {
      }
      %dma_wait3A_46 = arith.constant 0 : i32
      %dma_wait3A_47 = tpu.memref_slice %arg2[%dma_wait3A_46] : memref<12800000xi32, #tpu.memory_space<hbm>> -> memref<4000xi32, #tpu.memory_space<hbm>>
      %dma_wait3A_48 = arith.constant 0 : i32
      %dma_wait3A_49 = tpu.memref_slice %arg2[%dma_wait3A_48] : memref<12800000xi32, #tpu.memory_space<hbm>> -> memref<4000xi32, #tpu.memory_space<hbm>>
      tpu.wait_dma2 semaphore(%arg11 : memref<!tpu.dma_semaphore, #tpu.memory_space<semaphore_mem>>) src(%dma_wait3A_49 : memref<4000xi32, #tpu.memory_space<hbm>>) dst(%arg7 : memref<4000xi32, #tpu.memory_space<vmem>>)
      %dma_wait3A_50 = arith.constant 0 : i32
      %dma_wait3A_51 = tpu.memref_slice %arg3[%dma_wait3A_50] : memref<6400000xf32, #tpu.memory_space<hbm>> -> memref<4000xf32, #tpu.memory_space<hbm>>
      %dma_wait3A_52 = arith.constant 0 : i32
      %dma_wait3A_53 = tpu.memref_slice %arg3[%dma_wait3A_52] : memref<6400000xf32, #tpu.memory_space<hbm>> -> memref<4000xf32, #tpu.memory_space<hbm>>
      tpu.wait_dma2 semaphore(%arg11 : memref<!tpu.dma_semaphore, #tpu.memory_space<semaphore_mem>>) src(%dma_wait3A_53 : memref<4000xf32, #tpu.memory_space<hbm>>) dst(%arg9 : memref<4000xf32, #tpu.memory_space<vmem>>)
      %scan3A_54 = arith.constant 0 : i32
      %scan3A_55 = arith.constant 0 : i32
      %scan3A_56 = arith.constant 25 : i32
      %scan3A_57 = arith.addi %scan3A_55, %scan3A_56 : i32
      %scan3A_58 = arith.constant 1 : i32
      scf.for %scan3A_65 = %scan3A_55 to %scan3A_57 step %scan3A_58  : i32 {
        %mul3A_66 = arith.constant 10 : i32
        %mul3A_67 = arith.muli %scan3A_65, %mul3A_66 : i32
        %add3A_68 = arith.constant 0 : i32
        %add3A_69 = arith.addi %mul3A_67, %add3A_68 : i32
        %mul3A_70 = arith.constant 16 : i32
        %mul3A_71 = arith.muli %add3A_69, %mul3A_70 : i32
        %multiple_of3A_72 = tpu.assume_multiple %mul3A_71, 16 : i32
        %get3A = arith.index_cast %multiple_of3A_72 : i32 to index
        %get3A_73 = tpu.vector_load %arg7[%get3A] {strides = array<i32>} : memref<4000xi32, #tpu.memory_space<vmem>>, vector<16xi32>,
        %get3A_74 = arith.index_cast %multiple_of3A_72 : i32 to index
        %get3A_75 = tpu.vector_load %arg9[%get3A_74] {strides = array<i32>} : memref<4000xf32, #tpu.memory_space<vmem>>, vector<16xf32>,
        tpu.vector_store_idx %arg5[%get3A_73], %get3A_75 {add = true} : memref<100352xf32, #tpu.memory_space<vmem>>[vector<16xi32>], vector<16xf32>,
        %mul3A_76 = arith.constant 10 : i32
        %mul3A_77 = arith.muli %scan3A_65, %mul3A_76 : i32
        %add3A_78 = arith.constant 1 : i32
        %add3A_79 = arith.addi %mul3A_77, %add3A_78 : i32
        %mul3A_80 = arith.constant 16 : i32
        %mul3A_81 = arith.muli %add3A_79, %mul3A_80 : i32
        %multiple_of3A_82 = tpu.assume_multiple %mul3A_81, 16 : i32
        %get3A_83 = arith.index_cast %multiple_of3A_82 : i32 to index
        %get3A_84 = tpu.vector_load %arg7[%get3A_83] {strides = array<i32>} : memref<4000xi32, #tpu.memory_space<vmem>>, vector<16xi32>,
        %get3A_85 = arith.index_cast %multiple_of3A_82 : i32 to index
        %get3A_86 = tpu.vector_load %arg9[%get3A_85] {strides = array<i32>} : memref<4000xf32, #tpu.memory_space<vmem>>, vector<16xf32>,
        tpu.vector_store_idx %arg5[%get3A_84], %get3A_86 {add = true} : memref<100352xf32, #tpu.memory_space<vmem>>[vector<16xi32>], vector<16xf32>,
        %mul3A_87 = arith.constant 10 : i32
        %mul3A_88 = arith.muli %scan3A_65, %mul3A_87 : i32
        %add3A_89 = arith.constant 2 : i32
        %add3A_90 = arith.addi %mul3A_88, %add3A_89 : i32
        %mul3A_91 = arith.constant 16 : i32
        %mul3A_92 = arith.muli %add3A_90, %mul3A_91 : i32
        %multiple_of3A_93 = tpu.assume_multiple %mul3A_92, 16 : i32
        %get3A_94 = arith.index_cast %multiple_of3A_93 : i32 to index
        %get3A_95 = tpu.vector_load %arg7[%get3A_94] {strides = array<i32>} : memref<4000xi32, #tpu.memory_space<vmem>>, vector<16xi32>,
        %get3A_96 = arith.index_cast %multiple_of3A_93 : i32 to index
        %get3A_97 = tpu.vector_load %arg9[%get3A_96] {strides = array<i32>} : memref<4000xf32, #tpu.memory_space<vmem>>, vector<16xf32>,
        tpu.vector_store_idx %arg5[%get3A_95], %get3A_97 {add = true} : memref<100352xf32, #tpu.memory_space<vmem>>[vector<16xi32>], vector<16xf32>,
        %mul3A_98 = arith.constant 10 : i32
        %mul3A_99 = arith.muli %scan3A_65, %mul3A_98 : i32
        %add3A_100 = arith.constant 3 : i32
        %add3A_101 = arith.addi %mul3A_99, %add3A_100 : i32
        %mul3A_102 = arith.constant 16 : i32
        %mul3A_103 = arith.muli %add3A_101, %mul3A_102 : i32
        %multiple_of3A_104 = tpu.assume_multiple %mul3A_103, 16 : i32
        %get3A_105 = arith.index_cast %multiple_of3A_104 : i32 to index
        %get3A_106 = tpu.vector_load %arg7[%get3A_105] {strides = array<i32>} : memref<4000xi32, #tpu.memory_space<vmem>>, vector<16xi32>,
        %get3A_107 = arith.index_cast %multiple_of3A_104 : i32 to index
        %get3A_108 = tpu.vector_load %arg9[%get3A_107] {strides = array<i32>} : memref<4000xf32, #tpu.memory_space<vmem>>, vector<16xf32>,
        tpu.vector_store_idx %arg5[%get3A_106], %get3A_108 {add = true} : memref<100352xf32, #tpu.memory_space<vmem>>[vector<16xi32>], vector<16xf32>,
        %mul3A_109 = arith.constant 10 : i32
        %mul3A_110 = arith.muli %scan3A_65, %mul3A_109 : i32
        %add3A_111 = arith.constant 4 : i32
        %add3A_112 = arith.addi %mul3A_110, %add3A_111 : i32
        %mul3A_113 = arith.constant 16 : i32
        %mul3A_114 = arith.muli %add3A_112, %mul3A_113 : i32
        %multiple_of3A_115 = tpu.assume_multiple %mul3A_114, 16 : i32
        %get3A_116 = arith.index_cast %multiple_of3A_115 : i32 to index
        %get3A_117 = tpu.vector_load %arg7[%get3A_116] {strides = array<i32>} : memref<4000xi32, #tpu.memory_space<vmem>>, vector<16xi32>,
        %get3A_118 = arith.index_cast %multiple_of3A_115 : i32 to index
        %get3A_119 = tpu.vector_load %arg9[%get3A_118] {strides = array<i32>} : memref<4000xf32, #tpu.memory_space<vmem>>, vector<16xf32>,
        tpu.vector_store_idx %arg5[%get3A_117], %get3A_119 {add = true} : memref<100352xf32, #tpu.memory_space<vmem>>[vector<16xi32>], vector<16xf32>,
        %mul3A_120 = arith.constant 10 : i32
        %mul3A_121 = arith.muli %scan3A_65, %mul3A_120 : i32
        %add3A_122 = arith.constant 5 : i32
        %add3A_123 = arith.addi %mul3A_121, %add3A_122 : i32
        %mul3A_124 = arith.constant 16 : i32
        %mul3A_125 = arith.muli %add3A_123, %mul3A_124 : i32
        %multiple_of3A_126 = tpu.assume_multiple %mul3A_125, 16 : i32
        %get3A_127 = arith.index_cast %multiple_of3A_126 : i32 to index
        %get3A_128 = tpu.vector_load %arg7[%get3A_127] {strides = array<i32>} : memref<4000xi32, #tpu.memory_space<vmem>>, vector<16xi32>,
        %get3A_129 = arith.index_cast %multiple_of3A_126 : i32 to index
        %get3A_130 = tpu.vector_load %arg9[%get3A_129] {strides = array<i32>} : memref<4000xf32, #tpu.memory_space<vmem>>, vector<16xf32>,
        tpu.vector_store_idx %arg5[%get3A_128], %get3A_130 {add = true} : memref<100352xf32, #tpu.memory_space<vmem>>[vector<16xi32>], vector<16xf32>,
        %mul3A_131 = arith.constant 10 : i32
        %mul3A_132 = arith.muli %scan3A_65, %mul3A_131 : i32
        %add3A_133 = arith.constant 6 : i32
        %add3A_134 = arith.addi %mul3A_132, %add3A_133 : i32
        %mul3A_135 = arith.constant 16 : i32
        %mul3A_136 = arith.muli %add3A_134, %mul3A_135 : i32
        %multiple_of3A_137 = tpu.assume_multiple %mul3A_136, 16 : i32
        %get3A_138 = arith.index_cast %multiple_of3A_137 : i32 to index
        %get3A_139 = tpu.vector_load %arg7[%get3A_138] {strides = array<i32>} : memref<4000xi32, #tpu.memory_space<vmem>>, vector<16xi32>,
        %get3A_140 = arith.index_cast %multiple_of3A_137 : i32 to index
        %get3A_141 = tpu.vector_load %arg9[%get3A_140] {strides = array<i32>} : memref<4000xf32, #tpu.memory_space<vmem>>, vector<16xf32>,
        tpu.vector_store_idx %arg5[%get3A_139], %get3A_141 {add = true} : memref<100352xf32, #tpu.memory_space<vmem>>[vector<16xi32>], vector<16xf32>,
        %mul3A_142 = arith.constant 10 : i32
        %mul3A_143 = arith.muli %scan3A_65, %mul3A_142 : i32
        %add3A_144 = arith.constant 7 : i32
        %add3A_145 = arith.addi %mul3A_143, %add3A_144 : i32
        %mul3A_146 = arith.constant 16 : i32
        %mul3A_147 = arith.muli %add3A_145, %mul3A_146 : i32
        %multiple_of3A_148 = tpu.assume_multiple %mul3A_147, 16 : i32
        %get3A_149 = arith.index_cast %multiple_of3A_148 : i32 to index
        %get3A_150 = tpu.vector_load %arg7[%get3A_149] {strides = array<i32>} : memref<4000xi32, #tpu.memory_space<vmem>>, vector<16xi32>,
        %get3A_151 = arith.index_cast %multiple_of3A_148 : i32 to index
        %get3A_152 = tpu.vector_load %arg9[%get3A_151] {strides = array<i32>} : memref<4000xf32, #tpu.memory_space<vmem>>, vector<16xf32>,
        tpu.vector_store_idx %arg5[%get3A_150], %get3A_152 {add = true} : memref<100352xf32, #tpu.memory_space<vmem>>[vector<16xi32>], vector<16xf32>,
        %mul3A_153 = arith.constant 10 : i32
        %mul3A_154 = arith.muli %scan3A_65, %mul3A_153 : i32
        %add3A_155 = arith.constant 8 : i32
        %add3A_156 = arith.addi %mul3A_154, %add3A_155 : i32
        %mul3A_157 = arith.constant 16 : i32
        %mul3A_158 = arith.muli %add3A_156, %mul3A_157 : i32
        %multiple_of3A_159 = tpu.assume_multiple %mul3A_158, 16 : i32
        %get3A_160 = arith.index_cast %multiple_of3A_159 : i32 to index
        %get3A_161 = tpu.vector_load %arg7[%get3A_160] {strides = array<i32>} : memref<4000xi32, #tpu.memory_space<vmem>>, vector<16xi32>,
        %get3A_162 = arith.index_cast %multiple_of3A_159 : i32 to index
        %get3A_163 = tpu.vector_load %arg9[%get3A_162] {strides = array<i32>} : memref<4000xf32, #tpu.memory_space<vmem>>, vector<16xf32>,
        tpu.vector_store_idx %arg5[%get3A_161], %get3A_163 {add = true} : memref<100352xf32, #tpu.memory_space<vmem>>[vector<16xi32>], vector<16xf32>,
        %mul3A_164 = arith.constant 10 : i32
        %mul3A_165 = arith.muli %scan3A_65, %mul3A_164 : i32
        %add3A_166 = arith.constant 9 : i32
        %add3A_167 = arith.addi %mul3A_165, %add3A_166 : i32
        %mul3A_168 = arith.constant 16 : i32
        %mul3A_169 = arith.muli %add3A_167, %mul3A_168 : i32
        %multiple_of3A_170 = tpu.assume_multiple %mul3A_169, 16 : i32
        %get3A_171 = arith.index_cast %multiple_of3A_170 : i32 to index
        %get3A_172 = tpu.vector_load %arg7[%get3A_171] {strides = array<i32>} : memref<4000xi32, #tpu.memory_space<vmem>>, vector<16xi32>,
        %get3A_173 = arith.index_cast %multiple_of3A_170 : i32 to index
        %get3A_174 = tpu.vector_load %arg9[%get3A_173] {strides = array<i32>} : memref<4000xf32, #tpu.memory_space<vmem>>, vector<16xf32>,
        tpu.vector_store_idx %arg5[%get3A_172], %get3A_174 {add = true} : memref<100352xf32, #tpu.memory_space<vmem>>[vector<16xi32>], vector<16xf32>,
      }
      %scan3A_59 = arith.constant 25 : i32
      %lt3A_60 = arith.constant 24 : i32
      %lt3A_61 = arith.cmpi slt, %scan3A_30, %lt3A_60 : i32
      %convert_element_type3A_62 = arith.extui %lt3A_61 : i1 to i32
      %cond3A_63 = arith.constant 0 : i32
      %cond3A_64 = arith.cmpi ne, %convert_element_type3A_62, %cond3A_63 : i32
      scf.if %cond3A_64 {
        %add3A_65 = arith.constant 1 : i32
        %add3A_66 = arith.addi %scan3A_30, %add3A_65 : i32
        %mul3A_67 = arith.constant 2 : i32
        %mul3A_68 = arith.muli %mul3A_67, %add3A_66 : i32
        %add3A_69 = arith.constant 1 : i32
        %add3A_70 = arith.addi %mul3A_68, %add3A_69 : i32
        %mul3A_71 = arith.constant 4000 : i32
        %mul3A_72 = arith.muli %add3A_70, %mul3A_71 : i32
        %add3A_73 = arith.addi %mul3A_2, %mul3A_72 : i32
        %multiple_of3A_74 = tpu.assume_multiple %add3A_73, 8 : i32
        %add3A_75 = arith.constant 6400000 : i32
        %add3A_76 = arith.addi %add3A_75, %multiple_of3A_74 : i32
        %dma_start3A_77 = tpu.memref_slice %arg2[%add3A_76] : memref<12800000xi32, #tpu.memory_space<hbm>> -> memref<4000xi32, #tpu.memory_space<hbm>>
        %dma_start3A_78 = tpu.memref_slice %arg2[%add3A_76] : memref<12800000xi32, #tpu.memory_space<hbm>> -> memref<4000xi32, #tpu.memory_space<hbm>>
        tpu.enqueue_dma source(%dma_start3A_78 : memref<4000xi32, #tpu.memory_space<hbm>>) target(%arg7 : memref<4000xi32, #tpu.memory_space<vmem>>) target_semaphore(%arg11 : memref<!tpu.dma_semaphore, #tpu.memory_space<semaphore_mem>>)
        %dma_start3A_79 = tpu.memref_slice %arg3[%multiple_of3A_74] : memref<6400000xf32, #tpu.memory_space<hbm>> -> memref<4000xf32, #tpu.memory_space<hbm>>
        %dma_start3A_80 = tpu.memref_slice %arg3[%multiple_of3A_74] : memref<6400000xf32, #tpu.memory_space<hbm>> -> memref<4000xf32, #tpu.memory_space<hbm>>
        tpu.enqueue_dma source(%dma_start3A_80 : memref<4000xf32, #tpu.memory_space<hbm>>) target(%arg9 : memref<4000xf32, #tpu.memory_space<vmem>>) target_semaphore(%arg11 : memref<!tpu.dma_semaphore, #tpu.memory_space<semaphore_mem>>)
      } else {
      }
    }
    %scan3A_29 = arith.constant 25 : i32
    "tpu.region"() ({
      %run_scoped3A = tpu.sem_alloc : memref<!tpu.dma_semaphore, #tpu.memory_space<semaphore_mem>>
      %dma_start3A_30 = arith.constant 0 : i32
      %dma_start3A_31 = tpu.memref_slice %arg4[%add3A, %dma_start3A_30] : memref<32x100352xf32, #tpu.memory_space<hbm>> -> memref<1x100352xf32, #tpu.memory_space<hbm>>
      %dma_start3A_32 = tpu.memref_squeeze %dma_start3A_31 : memref<1x100352xf32, #tpu.memory_space<hbm>> -> memref<100352xf32, #tpu.memory_space<hbm>>
      %dma_start3A_33 = arith.constant 0 : i32
      %dma_start3A_34 = tpu.memref_slice %arg4[%add3A, %dma_start3A_33] : memref<32x100352xf32, #tpu.memory_space<hbm>> -> memref<1x100352xf32, #tpu.memory_space<hbm>>
      %dma_start3A_35 = tpu.memref_squeeze %dma_start3A_34 : memref<1x100352xf32, #tpu.memory_space<hbm>> -> memref<100352xf32, #tpu.memory_space<hbm>>
      tpu.enqueue_dma source(%arg5 : memref<100352xf32, #tpu.memory_space<vmem>>) target(%dma_start3A_35 : memref<100352xf32, #tpu.memory_space<hbm>>) target_semaphore(%run_scoped3A : memref<!tpu.dma_semaphore, #tpu.memory_space<semaphore_mem>>)
      %dma_wait3A = arith.constant 0 : i32
      %dma_wait3A_36 = tpu.memref_slice %arg4[%add3A, %dma_wait3A] : memref<32x100352xf32, #tpu.memory_space<hbm>> -> memref<1x100352xf32, #tpu.memory_space<hbm>>
      %dma_wait3A_37 = tpu.memref_squeeze %dma_wait3A_36 : memref<1x100352xf32, #tpu.memory_space<hbm>> -> memref<100352xf32, #tpu.memory_space<hbm>>
      %dma_wait3A_38 = arith.constant 0 : i32
      %dma_wait3A_39 = tpu.memref_slice %arg4[%add3A, %dma_wait3A_38] : memref<32x100352xf32, #tpu.memory_space<hbm>> -> memref<1x100352xf32, #tpu.memory_space<hbm>>
      %dma_wait3A_40 = tpu.memref_squeeze %dma_wait3A_39 : memref<1x100352xf32, #tpu.memory_space<hbm>> -> memref<100352xf32, #tpu.memory_space<hbm>>
      tpu.wait_dma2 semaphore(%run_scoped3A : memref<!tpu.dma_semaphore, #tpu.memory_space<semaphore_mem>>) src(%arg5 : memref<100352xf32, #tpu.memory_space<vmem>>) dst(%dma_wait3A_40 : memref<100352xf32, #tpu.memory_space<hbm>>)
      tpu.yield
    }) : () -> ()
    return
  }
}

module attributes {stable_mosaic.version = 14 : i64} {
  func.func @_combine_body(%arg0: i32, %arg1: memref<1xf32, #tpu.memory_space<smem>>, %arg2: memref<32x112x128xf32, #tpu.memory_space<vmem>>, %arg3: memref<112x128xf32, #tpu.memory_space<vmem>>) attributes {dimension_semantics = [#tpu.dimension_semantics<arbitrary>], iteration_bounds = array<i64: 7>, scalar_prefetch = 0 : i64, scratch_operands = 0 : i64, tpu.core_type = #tpu.core_type<tc>, window_params = [{transform_indices = @transform_0, window_bounds = array<i64: 1>}, {transform_indices = @transform_1, window_bounds = array<i64: 32, 112, 128>}, {transform_indices = @transform_2, window_bounds = array<i64: 112, 128>}]} {
    %get3A = arith.constant 0 : index
    %get3A_0 = arith.constant 0 : index
    %get3A_1 = arith.constant 0 : index
    %get3A_2 = vector.load %arg2[%get3A, %get3A_0, %get3A_1] : memref<32x112x128xf32, #tpu.memory_space<vmem>>, vector<32x112x128xf32>
    %reduce_sum3A = arith.constant dense<0.000000e+00> : vector<112x128xf32>
    %reduce_sum3A_3 = vector.multi_reduction <add>, %get3A_2, %reduce_sum3A [0] : vector<32x112x128xf32> to vector<112x128xf32>
    %get3A_4 = arith.constant 0 : index
    %get3A_5 = memref.load %arg1[%get3A_4] : memref<1xf32, #tpu.memory_space<smem>>
    %mul3A = vector.broadcast %get3A_5 : f32 to vector<112x128xf32>
    %mul3A_6 = arith.mulf %reduce_sum3A_3, %mul3A : vector<112x128xf32>
    %swap3A = arith.constant 0 : index
    %swap3A_7 = arith.constant 0 : index
    %swap3A_8 = vector.load %arg3[%swap3A, %swap3A_7] : memref<112x128xf32, #tpu.memory_space<vmem>>, vector<112x128xf32>
    tpu.vector_store %arg3[%swap3A, %swap3A_7], %mul3A_6 {strides = array<i32>} : memref<112x128xf32, #tpu.memory_space<vmem>>, vector<112x128xf32>,
    return
  }
  func.func @transform_0(%arg0: i32) -> i32 {
    %c0_i32 = arith.constant 0 : i32
    %c0_i32_0 = arith.constant 0 : i32
    return %c0_i32 : i32
  }
  func.func @transform_1(%arg0: i32) -> (i32, i32, i32) {
    %c0_i32 = arith.constant 0 : i32
    %c0_i32_0 = arith.constant 0 : i32
    %c0_i32_1 = arith.constant 0 : i32
    return %c0_i32, %arg0, %c0_i32_0 : i32, i32, i32
  }
  func.func @transform_2(%arg0: i32) -> (i32, i32) {
    %c0_i32 = arith.constant 0 : i32
    %c0_i32_0 = arith.constant 0 : i32
    return %arg0, %c0_i32 : i32, i32
  }
}

</mosaic_0001>

<sc_bundles>
// kernel: kernel.5.cloned.1.call-start
scs
__scs_entry_jumppad:
0x0: {  	(pc) =	sbr.rel $0x88, $3  }
0x1: {  	(tag) =	ssettag $0x0;
	lr =	simm.s32 $0x1  }
0x2: {  	[smem:$0x3F9E] =	sst lr;
	_ =	strace $0xD0000000  }
0x3: {  	_ = 	snop  }
0x4: {  	_ = 	snop  }
0x5: {  	_ = 	snop  }
0x6: {  	_ = 	snop  }
0x7: {  	_ = 	snop  }
__scs_overlays_trampoline_lowered:
0x8: {  	[smem:$0x3FAD] =	sst s0  }
0x9: {  	[smem:$0x3FAE] =	sst s1  }
0xa: {  	[smem:$0x3FAF] =	sst s2  }
0xb: {  	[smem:$0x3FB0] =	sst s3  }
0xc: {  	[smem:$0x3FB1] =	sst s4  }
0xd: {  	[smem:$0x3FB2] =	sst s5  }
0xe: {  	[smem:$0x3FB3] =	sst s6  }
0xf: {  	[smem:$0x3FB4] =	sst s7  }
0x10: {  	[smem:$0x3FB5] =	sst s8  }
0x11: {  	[smem:$0x3FB6] =	sst s9;
	s0 =	simm.s32 @!p0 $0x0  }
0x12: {  	s1 =	sld [smem:$0x3F9C];
	s0 =	simm.s32 @p0 $0x1  }
0x13: {  	[smem:$0x3FB7] =	sst s0;
	s0 =	simm.s32 @!p1 $0x0  }
0x14: {  	s2 =	sld [smem:$0x3F9B];
	s0 =	simm.s32 @p1 $0x1  }
0x15: {  	[smem:$0x3FB8] =	sst s0;
	s0 =	simm.s32 @!p2 $0x0  }
0x16: {  	s3 =	sld [smem:$0x3FDB];
	s0 =	simm.s32 @p2 $0x1  }
0x17: {  	s4 =	simm.s32 $0x1BF5;
	[smem:$0x3FBA] =	sst s0  }
0x18: {  	s0 =	sld [smem:$0x3F9D];
	_ =	swait.ge [sflag:s4], $0x0  }
0x19: {  	s7 =	sld [smem:$0x3F9E]  }
0x1a: {  	s8 =	sadd.s32 $0xFFFFE003, lr  }
0x1b: {  	s9 =	sadd.s32 $0xFFFFFEF7, lr;
	s5 =	simm.s32 $0xFFFFFFFF;
	p2 =	slt.u32 s8, $0xFFFFF086  }
0x1c: {  	p1 =	slt.u32 s9, $0xF7A;
	s5 =	simm.s32 @!p2 $0x0  }
0x1d: {  	s5 =	simm.s32 @p1 $0x1;
	p0 =	seq.s32 s7, s2  }
0x1e: {  	s7 =	smul.u32 @!p0 $0xF7A, s2;
	p2 =	seq.s32 @!p0 s5, $0x0  }
0x1f: {  	s9 =	smul.u32 $0xF7A, s1;
	s8 =	simm.s32 @!p0 $0x1BF5;
	p2 =	por !p2, p0  }
0x20: {  	[sflag:s8] =	ssyncset.s32 @!p0 $0xFFFFF086;
	s6 =	sadd.s32 @!p0 s3, s7;
	s7 =	simm.s32 @!p0 $0x108  }
0x21: {  	s3 =	sadd.s32 s3, s9;
	s6 =	sadd.s32 @!p0 $0x88, s6;
	s7 =	simm.s32 @p2 $0x1082  }
0x22: {  	[simem:s7], [sflag:s8] =	dma.local @!p0 [hbm:s6], $0xF7A  }
0x23: {  	s9 =	sor.u32 $0xD0000000, s2;
	s6 =	simm.s32 $0x108;
	_ =	swait.ge @!p0 [sflag:s8], $0x0  }
0x24: {  	s3 =	sadd.s32 $0x88, s3;
	s6 =	simm.s32 @!p1 $0x1082;
	[sflag:s4] =	ssyncset.s32 $0xFFFFF086  }
0x25: {  	[simem:s6], [sflag:s4] =	dma.local [hbm:s3], $0xF7A  }
0x26: {  	[smem:$0x3F9E] =	sst s1;
	(tag) =	ssettag s2;
	_ =	strace s9  }
0x27: {  	s1 =	sld [smem:$0x3FAE]  }
0x28: {  	s2 =	sld [smem:$0x3FAF]  }
0x29: {  	s4 =	sld [smem:$0x3FB1]  }
0x2a: {  	p0 =	seq.s32 s5, $0x0;
	s5 =	sld [smem:$0x3FB2]  }
0x2b: {  	s6 =	sld [smem:$0x3FB3]  }
0x2c: {  	s7 =	sld [smem:$0x3FB4]  }
0x2d: {  	s3 =	simm.s32 $0x108;
	s8 =	sld [smem:$0x3FB5]  }
0x2e: {  	s3 =	simm.s32 @!p0 $0x1082;
	s9 =	sld [smem:$0x3FB6]  }
0x2f: {  	lr =	sadd.s32 s0, s3;
	s0 =	sld [smem:$0x3FAD]  }
0x30: {  	s3 =	sld [smem:$0x3FB0]  }
0x31: {  	[smem:$0x3FB9] =	sst s10  }
0x32: {  	s10 =	sld [smem:$0x3FB7];
	_ =	sdelay $0x3  }
0x33: {  	p0 =	seq.s32 s10, $0x1;
	s10 =	sld [smem:$0x3FB9];
	_ =	sdelay $0x3  }
0x34: {  	[smem:$0x3FB9] =	sst s10  }
0x35: {  	s10 =	sld [smem:$0x3FB8];
	_ =	sdelay $0x3  }
0x36: {  	p1 =	seq.s32 s10, $0x1;
	s10 =	sld [smem:$0x3FB9];
	_ =	sdelay $0x3  }
0x37: {  	[smem:$0x3FB9] =	sst s10  }
0x38: {  	s10 =	sld [smem:$0x3FBA]  }
0x39: {  	_ = 	snop;
	(pc) =	sbr.ind lr, $3  }
0x3a: {  	_ = 	snop  }
0x3b: {  	_ = 	snop  }
0x3c: {  	p2 =	seq.s32 s10, $0x1;
	s10 =	sld [smem:$0x3FB9]  }
0x3d: {  	_ =	shalt  }
0x3e: {  	_ =	shalt  }
0x3f: {  	_ =	shalt  }
0x40: {  	_ =	shalt  }
0x41: {  	_ =	shalt  }
0x42: {  	_ =	shalt  }
0x43: {  	_ =	shalt  }
0x44: {  	_ =	shalt  }
0x45: {  	_ =	shalt  }
0x46: {  	_ =	shalt  }
0x47: {  	_ =	shalt  }
0x48: {  	_ =	shalt  }
0x49: {  	_ =	shalt  }
0x4a: {  	_ =	shalt  }
0x4b: {  	_ =	shalt  }
0x4c: {  	_ =	shalt  }
0x4d: {  	_ =	shalt  }
0x4e: {  	_ =	shalt  }
0x4f: {  	_ =	shalt  }
0x50: {  	_ =	shalt  }
0x51: {  	_ =	shalt  }
0x52: {  	_ =	shalt  }
0x53: {  	_ =	shalt  }
0x54: {  	_ =	shalt  }
0x55: {  	_ =	shalt  }
0x56: {  	_ =	shalt  }
0x57: {  	_ =	shalt  }
0x58: {  	_ =	shalt  }
0x59: {  	_ =	shalt  }
0x5a: {  	_ =	shalt  }
0x5b: {  	_ =	shalt  }
0x5c: {  	_ =	shalt  }
0x5d: {  	_ =	shalt  }
0x5e: {  	_ =	shalt  }
0x5f: {  	_ =	shalt  }
0x60: {  	_ =	shalt  }
0x61: {  	_ =	shalt  }
0x62: {  	_ =	shalt  }
0x63: {  	_ =	shalt  }
0x64: {  	_ =	shalt  }
0x65: {  	_ =	shalt  }
0x66: {  	_ =	shalt  }
0x67: {  	_ =	shalt  }
0x68: {  	_ =	shalt  }
0x69: {  	_ =	shalt  }
0x6a: {  	_ =	shalt  }
0x6b: {  	_ =	shalt  }
0x6c: {  	_ =	shalt  }
0x6d: {  	_ =	shalt  }
0x6e: {  	_ =	shalt  }
0x6f: {  	_ =	shalt  }
0x70: {  	_ =	shalt  }
0x71: {  	_ =	shalt  }
0x72: {  	_ =	shalt  }
0x73: {  	_ =	shalt  }
0x74: {  	_ =	shalt  }
0x75: {  	_ =	shalt  }
0x76: {  	_ =	shalt  }
0x77: {  	_ =	shalt  }
0x78: {  	_ =	shalt  }
0x79: {  	_ =	shalt  }
0x7a: {  	_ =	shalt  }
0x7b: {  	_ =	shalt  }
0x7c: {  	_ =	shalt  }
0x7d: {  	_ =	shalt  }
0x7e: {  	_ =	shalt  }
0x7f: {  	_ =	shalt  }
0x80: {  	_ =	shalt  }
0x81: {  	_ =	shalt  }
0x82: {  	_ =	shalt  }
0x83: {  	_ =	shalt  }
0x84: {  	_ =	shalt  }
0x85: {  	_ =	shalt  }
0x86: {  	_ =	shalt  }
0x87: {  	_ =	shalt  }
.Lfunc_end0:
.L_simem_size_0:
called_computation.1_lowered:
.L_overlay_start_0:
0x88: {  	s2 =	sld [smem:$0x3FD9]  }
0x89: {  	s3 =	sld [smem:$0x3FFE];
	_ =	sdelay $0x1  }
0x8a: {  	s1 =	srdreg.scid  }
0x8b: {  	s0 =	sand.u32 $0x1, s1  }
0x8c: {  	s17 =	sshll.u32 s0, $0xA;
	s2 =	sadd.s32 s3, s2  }
0x8d: {  	s2 =	sadd.s32 s2, s17  }
0x8e: {  	[smem:$0x3FC5] =	sst s2  }
0x8f: {  	_ = 	snop  }
0x90: {  	s2 =	sld [smem:$0x3FC9];
	(tm) =	ssettm $0x1  }
0x91: {  	s18 =	sld [smem:$0x3FFB];
	_ =	sdelay $0x3  }
0x92: {  	_ =	strace s18  }
0x93: {  	s3 =	sld [smem:$0x3FFC];
	_ =	sdelay $0x3  }
0x94: {  	_ =	strace s3  }
0x95: {  	s3 =	sld [smem:$0x3FFD];
	_ =	sdelay $0x3  }
0x96: {  	_ =	strace s3  }
0x97: {  	_ =	strace $0x8FFFFFFF  }
0x98: {  	s19 =	sld [smem:$0x3FDB];
	_ =	sdelay $0x1  }
0x99: {  	s4 =	simm.s32 $_scs_section_size  }
0x9a: {  	s5 =	simm.s32 $_size__tile_overlayer_lowered;
	s6 =	simm.s32 $_tile_overlayer_lowered  }
0x9b: {  	s22 =	simm.s32 $0x1BFF;
	s21 =	sshll.u32 s6, $0x1;
	s3 =	sadd.s32 s4, s19  }
0x9c: {  	s7 =	simm.s32 $0x0;
	s20 =	sshll.u32 s5, $0x1;
	s5 =	sadd.s32 s21, s3  }
0x9d: {  	[timem:s7], [sflag:s22] =	dma.local [hbm:s5], s20  }
0x9e: {  	_ =	swait.ge [sflag:s22], s20  }
0x9f: {  	s4 =	ssub.s32 $0x0, s20;
	[sflag:s22] =	ssyncset.done $0x0  }
0xa0: {  	[sflag:s22] =	ssyncadd.s32 s4;
	_ =	sdelay $0x1  }
0xa1: {  	s23 =	simm.s32 $0x1B8B  }
0xa2: {  	_ =	swait.ge [sflag:s23], $0x1  }
0xa3: {  	[sflag:s23] =	ssyncset.done $0x0  }
0xa4: {  	s25 =	simm.s32 $0x1B8E;
	s24 =	sld [smem:$0x3FFE];
	[sflag:s23] =	ssyncadd.s32 $0xFFFFFFFF  }
0xa5: {  	s26 =	simm.s32 $execute0_lowered;
	[smem:$0x3FD2] =	sst s25  }
0xa6: {  	s5 =	sshll.u32 s26, $0x1;
	_ =	strace $0x80000049;
	[dreg:$0x1] =	wrdreg $0xFFFFFFFF  }
0xa7: {  	s28 =	simm.s32 $_size_execute0_lowered;
	s3 =	sadd.s32 s3, s5;
	[dreg:$0x0] =	wrdreg $0x0  }
0xa8: {  	s5 =	sshll.u32 s28, $0x1;
	[dreg:$0x2] =	wrdreg s3  }
0xa9: {  	[dreg:$0x3] =	wrdreg s5  }
0xaa: {  	[dreg:$0x4] =	wrdreg $0xC0  }
0xab: {  	_ =	task [dreg:s7], $0x5FFFF  }
0xac: {  	[dreg:$0x1] =	wrdreg $0xFFFFFFFF  }
0xad: {  	[dreg:$0x0] =	wrdreg $0x60  }
0xae: {  	[dreg:$0x2] =	wrdreg s2  }
0xaf: {  	[dreg:$0x3] =	wrdreg s24  }
0xb0: {  	[dreg:$0x4] =	wrdreg $0x9  }
0xb1: {  	_ =	task.clear_ibuf [dreg:s7], $0x5FFFF;
	_ =	strace $0x90000049  }
0xb2: {  	s29 =	simm.s32 $0x9;
	_ =	strace $0x8000004B  }
0xb3: {  	_ =	swait.ge [sflag:s29], $0x1  }
0xb4: {  	[sflag:s29] =	ssyncadd.s32 $0xFFFFFFFF  }
0xb5: {  	_ =	strace $0x9000004B  }
0xb6: {  	_ =	sfence  }
0xb7: {  	s30 =	sld [smem:$0x0];
	_ =	sdelay $0x2  }
0xb8: {  	s31 =	sshll.u32 s1, $0xD;
	s1 =	sshrl.u32 s1, $0x2  }
0xb9: {  	s3 =	sand.u32 $0x4000, s31;
	s1 =	sadd.s32 s1, s30  }
0xba: {  	s0 =	sor.u32 s3, s0;
	s1 =	sshll.u32 s1, $0x11  }
0xbb: {  	s0 =	sor.u32 s1, s0  }
0xbc: {  	s0 =	sadd.s32 $0x8F2B, s0  }
0xbd: {  	[sflag:s0] =	ssyncadd.remote.s32 $0x1  }
0xbe: {  	_ =	sfence.sel $0xFFFF  }
0xbf: {  	[dreg:$0x0] =	wrdreg $0xFFFFFFFF;
	(pc) =	sbr.abs _section_cstart, $3  }
0xc0: {  	[dreg:$0x1] =	wrdreg $0xFFFFFFFF  }
0xc1: {  	_ =	task.clear_ibuf [dreg:s7], $0x2FFFF;
	_ =	strace $0x9FFFFFFF  }
0xc2: {  	(tm) =	ssettm $0x7FFFFFFF  }
0xc3: {  	_ =	shalt  }
tec
execute0_lowered:
.L_overlay_start_1:
0x0: {  	(tag) =	ssettag $0x1  }
0x1: {  	s2 =	rddreg [dreg:$0x0]  }
0x2: {  	s0 =	srdreg.scid;
	s7 =	rddreg [dreg:$0x1]  }
0x3: {  	s1 =	stileid.u32;
	s3 =	simm.s32 $0x0;
	s13 =	simm.s32 $0x5  }
0x4: {  	s14 =	simm.s32 $0x18700;
	s15 =	simm.s32 $0x19700;
	s16 =	simm.s32 $0x1  }
0x5: {  	s17 =	simm.s32 $0x1A700;
	s18 =	simm.s32 $0x2;
	s6 =	sand.u32 $0x1, s0  }
0x6: {  	s19 =	simm.s32 $0x1B700;
	s20 =	simm.s32 $0x3;
	s4 =	sshll.u32 s6, $0x4  }
0x7: {  	s21 =	simm.s32 $0x4;
	s22 =	simm.s32 $0x0;
	s4 =	sor.u32 s1, s4  }
0x8: {  	s0 =	rddreg [dreg:$0x2];
	s8 =	ssub.s32 $0x2, s6;
	s4 =	smul.u32 $0x30D40, s4  }
.Ltmp0:
0x9: {  	[smem:$0x7FF] =	sst s3;
	s9 =	sshrl.u32 s8, $0x1;
	(pc) =	sbr.rel .LBB2_1-.Ltmp0, $4  }
0xa: {  	s5 =	sadd.s32 $0xC00, s7;
	_ =	strace $0x8000004A;
	s12 =	ssub.s32 s8, s9  }
0xb: {  	s6 =	sadd.s32 $0x187600, s7;
	s12 =	smax.u32 s12, $0x1;
	s7 =	sadd.s32 $0xFA0, s4  }
0xc: {  	s30 =	sshrl.u32 s4, $0x3;
	s10 =	sadd.s32 $0x1F40, s4;
	s31 =	sshrl.u32 s7, $0x3  }
0xd: {  	s11 =	sadd.s32 $0x2EE0, s4;
	s8 =	sadd.s32 s5, s30;
	s9 =	sadd.s32 s5, s31  }
.LBB2_8:
0xe: {  	s22 =	sadd.s32 $0x1, s22  }
0xf: {  	_ =	swait.ge [sflag:s20], $0xFA0;
	p0 =	sne.s32 s22, s12  }
.Ltmp1:
0x10: {  	[sflag:s20] =	ssyncset.done $0x0;
	(pc) =	sbr.rel @!p0 .LBB2_9-.Ltmp1, $4  }
0x11: {  	[sflag:s20] =	ssyncadd.s32 $0xFFFFF060  }
0x12: {  	_ =	swait.ge [sflag:s21], $0xFA0  }
0x13: {  	[sflag:s21] =	ssyncset.done $0x0  }
0x14: {  	[sflag:s21] =	ssyncadd.s32 $0xFFFFF060  }
.LBB2_1:
0x15: {  	[tilespmem:s3], [sflag:$0x5] =	stream.linear.gather [hbm4b:s2+s3], $0x18700, $0x38;
	[tilespmem:$0x1C700] =	vst v63  }
0x16: {  	_ =	swait.ge [sflag:s13], $0x18700  }
0x17: {  	[sflag:s13] =	ssyncset.done $0x0  }
0x18: {  	[sflag:s13] =	ssyncadd.s32 $0xFFFE7900  }
0x19: {  	[tilespmem:s14], [sflag:$0x1] =	stream.linear.gather [hbm4b:s8+s3], $0xFA0, $0x38;
	[tilespmem:$0x1C700] =	vst v63  }
0x1a: {  	s23 =	simm.s32 $0x0  }
0x1b: {  	[tilespmem:s15], [sflag:$0x2] =	stream.linear.gather [hbm4b:s9+s3], $0xFA0, $0x38;
	[tilespmem:$0x1C700] =	vst v63  }
.LBB2_2:
0x1c: {  	p0 =	seq.s32 s23, $0x0  }
0x1d: {  	s24 =	simm.s32 @!p0 $0x3  }
0x1e: {  	_ =	swait.ge @!p0 [sflag:s24], $0xFA0  }
0x1f: {  	[sflag:s24] =	ssyncset.done @!p0 $0x0  }
0x20: {  	[sflag:s24] =	ssyncadd.s32 @!p0 $0xFFFFF060  }
0x21: {  	_ =	swait.ge [sflag:s16], $0xFA0  }
0x22: {  	s25 =	simm.s32 $0x18750;
	[sflag:s16] =	ssyncset.done $0x0  }
0x23: {  	s26 =	simm.s32 $0x1A750;
	s24 =	simm.s32 $0x0;
	[sflag:s16] =	ssyncadd.s32 $0xFFFFF060  }
.LBB2_3:
0x24: {  	v0 =	vld [tilespmem:s25+$0xFFFFFFB0];
	_ =	sdelay $0x7  }
0x25: {  	v0 =	vld.idx.msk [tilespmem:v0+s3+$0x0], $0xffff;
	_ =	sdelay $0x4  }
0x26: {  	[tilespmem:s26+$0xFFFFFFB0] =	vst v0  }
0x27: {  	v0 =	vld [tilespmem:s25+$0xFFFFFFC0];
	_ =	sdelay $0x7  }
0x28: {  	v0 =	vld.idx.msk [tilespmem:v0+s3+$0x0], $0xffff;
	_ =	sdelay $0x4  }
0x29: {  	[tilespmem:s26+$0xFFFFFFC0] =	vst v0  }
0x2a: {  	v0 =	vld [tilespmem:s25+$0xFFFFFFD0];
	_ =	sdelay $0x7  }
0x2b: {  	v0 =	vld.idx.msk [tilespmem:v0+s3+$0x0], $0xffff;
	_ =	sdelay $0x4  }
0x2c: {  	[tilespmem:s26+$0xFFFFFFD0] =	vst v0  }
0x2d: {  	v0 =	vld [tilespmem:s25+$0xFFFFFFE0];
	_ =	sdelay $0x7  }
0x2e: {  	v0 =	vld.idx.msk [tilespmem:v0+s3+$0x0], $0xffff;
	_ =	sdelay $0x4  }
0x2f: {  	[tilespmem:s26+$0xFFFFFFE0] =	vst v0  }
0x30: {  	v0 =	vld [tilespmem:s25+$0xFFFFFFF0];
	_ =	sdelay $0x7  }
0x31: {  	v0 =	vld.idx.msk [tilespmem:v0+s3+$0x0], $0xffff;
	_ =	sdelay $0x4  }
0x32: {  	[tilespmem:s26+$0xFFFFFFF0] =	vst v0  }
0x33: {  	v0 =	vld [tilespmem:s25+$0x0];
	_ =	sdelay $0x7  }
0x34: {  	v0 =	vld.idx.msk [tilespmem:v0+s3+$0x0], $0xffff;
	_ =	sdelay $0x4  }
0x35: {  	[tilespmem:s26+$0x0] =	vst v0  }
0x36: {  	v0 =	vld [tilespmem:s25+$0x10];
	_ =	sdelay $0x7  }
0x37: {  	v0 =	vld.idx.msk [tilespmem:v0+s3+$0x0], $0xffff;
	_ =	sdelay $0x4  }
0x38: {  	[tilespmem:s26+$0x10] =	vst v0  }
0x39: {  	v0 =	vld [tilespmem:s25+$0x20];
	_ =	sdelay $0x7  }
0x3a: {  	v0 =	vld.idx.msk [tilespmem:v0+s3+$0x0], $0xffff;
	_ =	sdelay $0x4  }
0x3b: {  	s28 =	sand.u32 $0x1FE0, s24;
	[tilespmem:s26+$0x20] =	vst v0  }
0x3c: {  	v0 =	vld [tilespmem:s28+$0x18780];
	_ =	sdelay $0x7  }
0x3d: {  	v0 =	vld.idx.msk [tilespmem:v0+s3+$0x0], $0xffff;
	_ =	sdelay $0x4  }
0x3e: {  	[tilespmem:s28+$0x1A780] =	vst v0  }
0x3f: {  	v0 =	vld [tilespmem:s25+$0x40];
	_ =	sdelay $0x7  }
0x40: {  	p0 =	sne.s32 s24, $0xF00;
	v0 =	vld.idx.msk [tilespmem:v0+s3+$0x0], $0xffff  }
.Ltmp2:
0x41: {  	_ = 	snop;
	(pc) =	sbr.rel @p0 .LBB2_3-.Ltmp2, $2  }
0x42: {  	_ =	sdelay $0x2  }
0x43: {  	s24 =	sadd.s32 $0xA0, s24;
	s25 =	sadd.s32 $0xA0, s25;
	[tilespmem:s26+$0x40] =	vst v0;
	s26 =	sadd.s32 $0xA0, s26  }
0x44: {  	s24 =	smul.u32 $0x1F40, s23;
	_ =	sdelay $0x1  }
0x45: {  	s25 =	sadd.s32 s4, s24  }
0x46: {  	s25 =	sshrl.u32 s25, $0x3  }
0x47: {  	p0 =	seq.s32 s23, $0x18;
	s25 =	sadd.s32 s6, s25  }
0x48: {  	[hbm4b:s25+s3] =	stream.linear.scatter [tilespmem:s17], [sflag:$0x3], $0xFA0, $0x38;
	[tilespmem:$0x1C700] =	vst v63  }
0x49: {  	s25 =	sadd.s32 @!p0 s24, s10  }
0x4a: {  	p1 =	seq.s32 @!p0 s23, $0x0;
	s26 =	simm.s32 @!p0 $0x0;
	s25 =	sshrl.u32 @!p0 s25, $0x3  }
0x4b: {  	s28 =	simm.s32 @!p0 $0x18700;
	p1 =	por p0, !p1;
	s25 =	sadd.s32 @!p0 s5, s25  }
0x4c: {  	[tilespmem:s28], [sflag:$0x1] =	stream.linear.gather @!p0 [hbm4b:s25+s26], $0xFA0, $0x38;
	[tilespmem:$0x1C700] =	vst v63  }
0x4d: {  	_ =	swait.ge @p1 [sflag:s21], $0xFA0  }
0x4e: {  	[sflag:s21] =	ssyncset.done @p1 $0x0  }
0x4f: {  	[sflag:s21] =	ssyncadd.s32 @p1 $0xFFFFF060  }
0x50: {  	_ =	swait.ge [sflag:s18], $0xFA0  }
0x51: {  	s25 =	simm.s32 $0x0;
	[sflag:s18] =	ssyncset.done $0x0  }
0x52: {  	s26 =	simm.s32 $0x19750;
	s28 =	simm.s32 $0x1B750;
	[sflag:s18] =	ssyncadd.s32 $0xFFFFF060  }
.LBB2_5:
0x53: {  	v0 =	vld [tilespmem:s26+$0xFFFFFFB0];
	_ =	sdelay $0x7  }
0x54: {  	v0 =	vld.idx.msk [tilespmem:v0+s3+$0x0], $0xffff;
	_ =	sdelay $0x4  }
0x55: {  	[tilespmem:s28+$0xFFFFFFB0] =	vst v0  }
0x56: {  	v0 =	vld [tilespmem:s26+$0xFFFFFFC0];
	_ =	sdelay $0x7  }
0x57: {  	v0 =	vld.idx.msk [tilespmem:v0+s3+$0x0], $0xffff;
	_ =	sdelay $0x4  }
0x58: {  	[tilespmem:s28+$0xFFFFFFC0] =	vst v0  }
0x59: {  	v0 =	vld [tilespmem:s26+$0xFFFFFFD0];
	_ =	sdelay $0x7  }
0x5a: {  	v0 =	vld.idx.msk [tilespmem:v0+s3+$0x0], $0xffff;
	_ =	sdelay $0x4  }
0x5b: {  	[tilespmem:s28+$0xFFFFFFD0] =	vst v0  }
0x5c: {  	v0 =	vld [tilespmem:s26+$0xFFFFFFE0];
	_ =	sdelay $0x7  }
0x5d: {  	v0 =	vld.idx.msk [tilespmem:v0+s3+$0x0], $0xffff;
	_ =	sdelay $0x4  }
0x5e: {  	[tilespmem:s28+$0xFFFFFFE0] =	vst v0  }
0x5f: {  	v0 =	vld [tilespmem:s26+$0xFFFFFFF0];
	_ =	sdelay $0x7  }
0x60: {  	v0 =	vld.idx.msk [tilespmem:v0+s3+$0x0], $0xffff;
	_ =	sdelay $0x4  }
0x61: {  	[tilespmem:s28+$0xFFFFFFF0] =	vst v0  }
0x62: {  	v0 =	vld [tilespmem:s26+$0x0];
	_ =	sdelay $0x7  }
0x63: {  	v0 =	vld.idx.msk [tilespmem:v0+s3+$0x0], $0xffff;
	_ =	sdelay $0x4  }
0x64: {  	[tilespmem:s28+$0x0] =	vst v0  }
0x65: {  	v0 =	vld [tilespmem:s26+$0x10];
	_ =	sdelay $0x7  }
0x66: {  	v0 =	vld.idx.msk [tilespmem:v0+s3+$0x0], $0xffff;
	_ =	sdelay $0x4  }
0x67: {  	[tilespmem:s28+$0x10] =	vst v0  }
0x68: {  	v0 =	vld [tilespmem:s26+$0x20];
	_ =	sdelay $0x7  }
0x69: {  	v0 =	vld.idx.msk [tilespmem:v0+s3+$0x0], $0xffff;
	_ =	sdelay $0x4  }
0x6a: {  	s29 =	sand.u32 $0x1FE0, s25;
	[tilespmem:s28+$0x20] =	vst v0  }
0x6b: {  	v0 =	vld [tilespmem:s29+$0x19780];
	_ =	sdelay $0x7  }
0x6c: {  	v0 =	vld.idx.msk [tilespmem:v0+s3+$0x0], $0xffff;
	_ =	sdelay $0x4  }
0x6d: {  	[tilespmem:s29+$0x1B780] =	vst v0  }
0x6e: {  	v0 =	vld [tilespmem:s26+$0x40];
	_ =	sdelay $0x7  }
0x6f: {  	p1 =	sne.s32 s25, $0xF00;
	v0 =	vld.idx.msk [tilespmem:v0+s3+$0x0], $0xffff  }
.Ltmp3:
0x70: {  	_ = 	snop;
	(pc) =	sbr.rel @p1 .LBB2_5-.Ltmp3, $2  }
0x71: {  	_ =	sdelay $0x2  }
0x72: {  	s25 =	sadd.s32 $0xA0, s25;
	s26 =	sadd.s32 $0xA0, s26;
	[tilespmem:s28+$0x40] =	vst v0;
	s28 =	sadd.s32 $0xA0, s28  }
.Ltmp4:
0x73: {  	(pc) =	sbr.rel @p0 .LBB2_8-.Ltmp4, $4  }
0x74: {  	s25 =	sadd.s32 s24, s7  }
0x75: {  	s25 =	sshrl.u32 s25, $0x3  }
0x76: {  	s25 =	sadd.s32 s6, s25  }
0x77: {  	[hbm4b:s25+s3] =	stream.linear.scatter [tilespmem:s19], [sflag:$0x4], $0xFA0, $0x38;
	[tilespmem:$0x1C700] =	vst v63  }
.Ltmp5:
0x78: {  	(pc) =	sbr.rel .LBB2_2-.Ltmp5, $4  }
0x79: {  	s24 =	sadd.s32 s24, s11  }
0x7a: {  	s24 =	sshrl.u32 s24, $0x3  }
0x7b: {  	s23 =	sadd.s32 $0x1, s23;
	s24 =	sadd.s32 s5, s24  }
0x7c: {  	[tilespmem:s15], [sflag:$0x2] =	stream.linear.gather [hbm4b:s24+s3], $0xFA0, $0x38;
	[tilespmem:$0x1C700] =	vst v63  }
.LBB2_9:
0x7d: {  	_ =	sfence.sel $0x180000  }
0x7e: {  	[bflag:$0x0] =	sbarrier.arrive $0xFFFF  }
0x7f: {  	p0 =	sne.s32 s1, $0x0;
	_ =	strace $0x9000004A  }
0x80: {  	s0 =	sadd.s32 @!p0 $0x100000, s0;
	[bflag:$0x2] =	sbarrier.arrive $0xFFFF  }
0x81: {  	[sflag:s0] =	ssyncadd.tile.s32 @!p0 $0x1;
	_ =	shalt  }
.Lfunc_end2:
_tile_overlayer_lowered:
.L_overlay_start_2:
0x82: {  	(tag) =	ssettag $0x2  }
0x83: {  	s0 =	rddreg [dreg:$0x0];
	s2 =	stileid.u32  }
0x84: {  	s1 =	rddreg [dreg:$0x1];
	p0 =	sne.s32 s2, $0x0  }
0x85: {  	s3 =	rddreg [dreg:$0x2];
	[bflag:$0x3] =	sbarrier.arrive $0xFFFF;
	s2 =	simm.s32 @!p0 $0x1C05  }
0x86: {  	[timem:s3], [sflag:s2] =	dma.local @!p0 [hbm:s0], s1  }
0x87: {  	s0 =	simm.s32 @!p0 $0x5  }
0x88: {  	_ =	swait.ge @!p0 [sflag:s0], s1  }
0x89: {  	s1 =	ssub.s32 @!p0 $0x0, s1;
	[sflag:s0] =	ssyncset.done @!p0 $0x0  }
0x8a: {  	[sflag:s0] =	ssyncadd.s32 @!p0 s1  }
0x8b: {  	[bflag:$0x3] =	sbarrier.arrive $0xFFFF  }
0x8c: {  	_ =	shalt  }

// kernel: kernel.8.cloned.1.call-start
scs
__scs_entry_jumppad:
0x0: {  	(pc) =	sbr.rel $0x88, $3  }
0x1: {  	(tag) =	ssettag $0x0;
	lr =	simm.s32 $0x1  }
0x2: {  	[smem:$0x3F9E] =	sst lr;
	_ =	strace $0xD0000000  }
0x3: {  	_ = 	snop  }
0x4: {  	_ = 	snop  }
0x5: {  	_ = 	snop  }
0x6: {  	_ = 	snop  }
0x7: {  	_ = 	snop  }
__scs_overlays_trampoline_lowered:
0x8: {  	[smem:$0x3FAD] =	sst s0  }
0x9: {  	[smem:$0x3FAE] =	sst s1  }
0xa: {  	[smem:$0x3FAF] =	sst s2  }
0xb: {  	[smem:$0x3FB0] =	sst s3  }
0xc: {  	[smem:$0x3FB1] =	sst s4  }
0xd: {  	[smem:$0x3FB2] =	sst s5  }
0xe: {  	[smem:$0x3FB3] =	sst s6  }
0xf: {  	[smem:$0x3FB4] =	sst s7  }
0x10: {  	[smem:$0x3FB5] =	sst s8  }
0x11: {  	[smem:$0x3FB6] =	sst s9;
	s0 =	simm.s32 @!p0 $0x0  }
0x12: {  	s1 =	sld [smem:$0x3F9C];
	s0 =	simm.s32 @p0 $0x1  }
0x13: {  	[smem:$0x3FB7] =	sst s0;
	s0 =	simm.s32 @!p1 $0x0  }
0x14: {  	s2 =	sld [smem:$0x3F9B];
	s0 =	simm.s32 @p1 $0x1  }
0x15: {  	[smem:$0x3FB8] =	sst s0;
	s0 =	simm.s32 @!p2 $0x0  }
0x16: {  	s3 =	sld [smem:$0x3FDB];
	s0 =	simm.s32 @p2 $0x1  }
0x17: {  	s4 =	simm.s32 $0x1BF5;
	[smem:$0x3FBA] =	sst s0  }
0x18: {  	s0 =	sld [smem:$0x3F9D];
	_ =	swait.ge [sflag:s4], $0x0  }
0x19: {  	s7 =	sld [smem:$0x3F9E]  }
0x1a: {  	s8 =	sadd.s32 $0xFFFFE003, lr  }
0x1b: {  	s9 =	sadd.s32 $0xFFFFFEF7, lr;
	s5 =	simm.s32 $0xFFFFFFFF;
	p2 =	slt.u32 s8, $0xFFFFF086  }
0x1c: {  	p1 =	slt.u32 s9, $0xF7A;
	s5 =	simm.s32 @!p2 $0x0  }
0x1d: {  	s5 =	simm.s32 @p1 $0x1;
	p0 =	seq.s32 s7, s2  }
0x1e: {  	s7 =	smul.u32 @!p0 $0xF7A, s2;
	p2 =	seq.s32 @!p0 s5, $0x0  }
0x1f: {  	s9 =	smul.u32 $0xF7A, s1;
	s8 =	simm.s32 @!p0 $0x1BF5;
	p2 =	por !p2, p0  }
0x20: {  	[sflag:s8] =	ssyncset.s32 @!p0 $0xFFFFF086;
	s6 =	sadd.s32 @!p0 s3, s7;
	s7 =	simm.s32 @!p0 $0x108  }
0x21: {  	s3 =	sadd.s32 s3, s9;
	s6 =	sadd.s32 @!p0 $0x88, s6;
	s7 =	simm.s32 @p2 $0x1082  }
0x22: {  	[simem:s7], [sflag:s8] =	dma.local @!p0 [hbm:s6], $0xF7A  }
0x23: {  	s9 =	sor.u32 $0xD0000000, s2;
	s6 =	simm.s32 $0x108;
	_ =	swait.ge @!p0 [sflag:s8], $0x0  }
0x24: {  	s3 =	sadd.s32 $0x88, s3;
	s6 =	simm.s32 @!p1 $0x1082;
	[sflag:s4] =	ssyncset.s32 $0xFFFFF086  }
0x25: {  	[simem:s6], [sflag:s4] =	dma.local [hbm:s3], $0xF7A  }
0x26: {  	[smem:$0x3F9E] =	sst s1;
	(tag) =	ssettag s2;
	_ =	strace s9  }
0x27: {  	s1 =	sld [smem:$0x3FAE]  }
0x28: {  	s2 =	sld [smem:$0x3FAF]  }
0x29: {  	s4 =	sld [smem:$0x3FB1]  }
0x2a: {  	p0 =	seq.s32 s5, $0x0;
	s5 =	sld [smem:$0x3FB2]  }
0x2b: {  	s6 =	sld [smem:$0x3FB3]  }
0x2c: {  	s7 =	sld [smem:$0x3FB4]  }
0x2d: {  	s3 =	simm.s32 $0x108;
	s8 =	sld [smem:$0x3FB5]  }
0x2e: {  	s3 =	simm.s32 @!p0 $0x1082;
	s9 =	sld [smem:$0x3FB6]  }
0x2f: {  	lr =	sadd.s32 s0, s3;
	s0 =	sld [smem:$0x3FAD]  }
0x30: {  	s3 =	sld [smem:$0x3FB0]  }
0x31: {  	[smem:$0x3FB9] =	sst s10  }
0x32: {  	s10 =	sld [smem:$0x3FB7];
	_ =	sdelay $0x3  }
0x33: {  	p0 =	seq.s32 s10, $0x1;
	s10 =	sld [smem:$0x3FB9];
	_ =	sdelay $0x3  }
0x34: {  	[smem:$0x3FB9] =	sst s10  }
0x35: {  	s10 =	sld [smem:$0x3FB8];
	_ =	sdelay $0x3  }
0x36: {  	p1 =	seq.s32 s10, $0x1;
	s10 =	sld [smem:$0x3FB9];
	_ =	sdelay $0x3  }
0x37: {  	[smem:$0x3FB9] =	sst s10  }
0x38: {  	s10 =	sld [smem:$0x3FBA]  }
0x39: {  	_ = 	snop;
	(pc) =	sbr.ind lr, $3  }
0x3a: {  	_ = 	snop  }
0x3b: {  	_ = 	snop  }
0x3c: {  	p2 =	seq.s32 s10, $0x1;
	s10 =	sld [smem:$0x3FB9]  }
0x3d: {  	_ =	shalt  }
0x3e: {  	_ =	shalt  }
0x3f: {  	_ =	shalt  }
0x40: {  	_ =	shalt  }
0x41: {  	_ =	shalt  }
0x42: {  	_ =	shalt  }
0x43: {  	_ =	shalt  }
0x44: {  	_ =	shalt  }
0x45: {  	_ =	shalt  }
0x46: {  	_ =	shalt  }
0x47: {  	_ =	shalt  }
0x48: {  	_ =	shalt  }
0x49: {  	_ =	shalt  }
0x4a: {  	_ =	shalt  }
0x4b: {  	_ =	shalt  }
0x4c: {  	_ =	shalt  }
0x4d: {  	_ =	shalt  }
0x4e: {  	_ =	shalt  }
0x4f: {  	_ =	shalt  }
0x50: {  	_ =	shalt  }
0x51: {  	_ =	shalt  }
0x52: {  	_ =	shalt  }
0x53: {  	_ =	shalt  }
0x54: {  	_ =	shalt  }
0x55: {  	_ =	shalt  }
0x56: {  	_ =	shalt  }
0x57: {  	_ =	shalt  }
0x58: {  	_ =	shalt  }
0x59: {  	_ =	shalt  }
0x5a: {  	_ =	shalt  }
0x5b: {  	_ =	shalt  }
0x5c: {  	_ =	shalt  }
0x5d: {  	_ =	shalt  }
0x5e: {  	_ =	shalt  }
0x5f: {  	_ =	shalt  }
0x60: {  	_ =	shalt  }
0x61: {  	_ =	shalt  }
0x62: {  	_ =	shalt  }
0x63: {  	_ =	shalt  }
0x64: {  	_ =	shalt  }
0x65: {  	_ =	shalt  }
0x66: {  	_ =	shalt  }
0x67: {  	_ =	shalt  }
0x68: {  	_ =	shalt  }
0x69: {  	_ =	shalt  }
0x6a: {  	_ =	shalt  }
0x6b: {  	_ =	shalt  }
0x6c: {  	_ =	shalt  }
0x6d: {  	_ =	shalt  }
0x6e: {  	_ =	shalt  }
0x6f: {  	_ =	shalt  }
0x70: {  	_ =	shalt  }
0x71: {  	_ =	shalt  }
0x72: {  	_ =	shalt  }
0x73: {  	_ =	shalt  }
0x74: {  	_ =	shalt  }
0x75: {  	_ =	shalt  }
0x76: {  	_ =	shalt  }
0x77: {  	_ =	shalt  }
0x78: {  	_ =	shalt  }
0x79: {  	_ =	shalt  }
0x7a: {  	_ =	shalt  }
0x7b: {  	_ =	shalt  }
0x7c: {  	_ =	shalt  }
0x7d: {  	_ =	shalt  }
0x7e: {  	_ =	shalt  }
0x7f: {  	_ =	shalt  }
0x80: {  	_ =	shalt  }
0x81: {  	_ =	shalt  }
0x82: {  	_ =	shalt  }
0x83: {  	_ =	shalt  }
0x84: {  	_ =	shalt  }
0x85: {  	_ =	shalt  }
0x86: {  	_ =	shalt  }
0x87: {  	_ =	shalt  }
.Lfunc_end0:
.L_simem_size_0:
called_computation.2_lowered:
.L_overlay_start_0:
0x88: {  	s2 =	sld [smem:$0x3FD9]  }
0x89: {  	s3 =	sld [smem:$0x3FFE];
	_ =	sdelay $0x1  }
0x8a: {  	s1 =	srdreg.scid  }
0x8b: {  	s0 =	sand.u32 $0x1, s1  }
0x8c: {  	s16 =	sshll.u32 s0, $0xA;
	s2 =	sadd.s32 s3, s2  }
0x8d: {  	s2 =	sadd.s32 s2, s16  }
0x8e: {  	[smem:$0x3FC5] =	sst s2  }
0x8f: {  	_ = 	snop  }
0x90: {  	(tm) =	ssettm $0x1  }
0x91: {  	s17 =	sld [smem:$0x3FFB];
	_ =	sdelay $0x3  }
0x92: {  	_ =	strace s17  }
0x93: {  	s2 =	sld [smem:$0x3FFC];
	_ =	sdelay $0x3  }
0x94: {  	_ =	strace s2  }
0x95: {  	s2 =	sld [smem:$0x3FFD];
	_ =	sdelay $0x3  }
0x96: {  	_ =	strace s2  }
0x97: {  	_ =	strace $0x8FFFFFFF  }
0x98: {  	s18 =	sld [smem:$0x3FDB];
	_ =	sdelay $0x1  }
0x99: {  	s19 =	simm.s32 $_scs_section_size  }
0x9a: {  	s4 =	simm.s32 $_size__tile_overlayer_lowered;
	s5 =	simm.s32 $_tile_overlayer_lowered  }
0x9b: {  	s22 =	simm.s32 $0x1BFF;
	s21 =	sshll.u32 s5, $0x1;
	s2 =	sadd.s32 s19, s18  }
0x9c: {  	s6 =	simm.s32 $0x0;
	s20 =	sshll.u32 s4, $0x1;
	s4 =	sadd.s32 s21, s2  }
0x9d: {  	[timem:s6], [sflag:s22] =	dma.local [hbm:s4], s20  }
0x9e: {  	_ =	swait.ge [sflag:s22], s20  }
0x9f: {  	s3 =	ssub.s32 $0x0, s20;
	[sflag:s22] =	ssyncset.done $0x0  }
0xa0: {  	[sflag:s22] =	ssyncadd.s32 s3;
	_ =	sdelay $0x1  }
0xa1: {  	s23 =	simm.s32 $0x1B8B  }
0xa2: {  	_ =	swait.ge [sflag:s23], $0x1  }
0xa3: {  	[sflag:s23] =	ssyncset.done $0x0  }
0xa4: {  	s25 =	simm.s32 $0x1B8E;
	s24 =	sld [smem:$0x3FFE];
	[sflag:s23] =	ssyncadd.s32 $0xFFFFFFFF  }
0xa5: {  	s26 =	simm.s32 $execute0_lowered;
	[smem:$0x3FD2] =	sst s25  }
0xa6: {  	s4 =	sshll.u32 s26, $0x1;
	_ =	strace $0x8000004C;
	[dreg:$0x1] =	wrdreg $0xFFFFFFFF  }
0xa7: {  	s28 =	simm.s32 $_size_execute0_lowered;
	s2 =	sadd.s32 s2, s4;
	[dreg:$0x0] =	wrdreg $0x0  }
0xa8: {  	s4 =	sshll.u32 s28, $0x1;
	[dreg:$0x2] =	wrdreg s2  }
0xa9: {  	[dreg:$0x3] =	wrdreg s4  }
0xaa: {  	[dreg:$0x4] =	wrdreg $0xC0  }
0xab: {  	_ =	task [dreg:s6], $0x5FFFF  }
0xac: {  	[dreg:$0x1] =	wrdreg $0xFFFFFFFF  }
0xad: {  	[dreg:$0x0] =	wrdreg $0x60  }
0xae: {  	[dreg:$0x2] =	wrdreg s24  }
0xaf: {  	[dreg:$0x3] =	wrdreg $0x9  }
0xb0: {  	_ =	task.clear_ibuf [dreg:s6], $0x4FFFF;
	_ =	strace $0x9000004C  }
0xb1: {  	s29 =	simm.s32 $0x9;
	_ =	strace $0x8000004E  }
0xb2: {  	_ =	swait.ge [sflag:s29], $0x1  }
0xb3: {  	[sflag:s29] =	ssyncadd.s32 $0xFFFFFFFF  }
0xb4: {  	_ =	strace $0x9000004E  }
0xb5: {  	_ =	sfence  }
0xb6: {  	s30 =	sld [smem:$0x0];
	_ =	sdelay $0x2  }
0xb7: {  	s31 =	sshll.u32 s1, $0xD;
	s1 =	sshrl.u32 s1, $0x2  }
0xb8: {  	s3 =	sand.u32 $0x4000, s31;
	s1 =	sadd.s32 s1, s30  }
0xb9: {  	s0 =	sor.u32 s3, s0;
	s1 =	sshll.u32 s1, $0x11  }
0xba: {  	s0 =	sor.u32 s1, s0  }
0xbb: {  	s0 =	sadd.s32 $0x8F2B, s0  }
0xbc: {  	[sflag:s0] =	ssyncadd.remote.s32 $0x1  }
0xbd: {  	_ =	sfence.sel $0xFFFF  }
0xbe: {  	[dreg:$0x0] =	wrdreg $0xFFFFFFFF;
	(pc) =	sbr.abs _section_cstart, $3  }
0xbf: {  	[dreg:$0x1] =	wrdreg $0xFFFFFFFF  }
0xc0: {  	_ =	task.clear_ibuf [dreg:s6], $0x2FFFF;
	_ =	strace $0x9FFFFFFF  }
0xc1: {  	(tm) =	ssettm $0x7FFFFFFF  }
tec
execute0_lowered:
.L_overlay_start_1:
0x0: {  	(tag) =	ssettag $0x1  }
0x1: {  	s0 =	srdreg.scid;
	s6 =	rddreg [dreg:$0x0]  }
0x2: {  	s1 =	stileid.u32;
	s2 =	simm.s32 $0x0;
	s13 =	simm.s32 $0x18800  }
0x3: {  	s14 =	simm.s32 $0x1A800;
	s15 =	simm.s32 $0x19800;
	s16 =	simm.s32 $0x1B800  }
0x4: {  	s17 =	simm.s32 $0x1;
	s18 =	simm.s32 $0x2;
	s19 =	simm.s32 $0x80  }
0x5: {  	s20 =	simm.s32 $0x400;
	s21 =	simm.s32 $0x3;
	s5 =	sand.u32 $0x1, s0  }
0x6: {  	s22 =	simm.s32 $0x0;
	s0 =	rddreg [dreg:$0x1];
	s3 =	sshll.u32 s5, $0x4  }
0x7: {  	[smem:$0x7FF] =	sst s2;
	s8 =	sshll.u32 s1, $0x7;
	s4 =	sor.u32 s1, s3  }
0x8: {  	_ =	strace $0x8000004D;
	s3 =	sshrl.u32 s4, $0x3;
	s10 =	smul.u32 $0x30D40, s4  }
0x9: {  	s8 =	sand.u32 $0x380, s8;
	s5 =	ssub.s32 $0x2, s5;
	s7 =	smul.u32 $0xC4000, s3  }
0xa: {  	s30 =	sshrl.u32 s5, $0x1;
	s4 =	sadd.s32 $0x187600, s6;
	s3 =	sadd.s32 $0xC00, s6  }
.Ltmp0:
0xb: {  	s9 =	sshrl.u32 s10, $0x3;
	s7 =	sor.u32 s8, s7;
	(pc) =	sbr.rel .LBB2_1-.Ltmp0, $4  }
0xc: {  	s12 =	ssub.s32 s5, s30;
	s31 =	sadd.s32 s3, s9;
	s7 =	sshrl.u32 s7, $0x3  }
0xd: {  	s12 =	smax.u32 s12, $0x1;
	s5 =	sadd.s32 $0xC3500, s31;
	s11 =	sadd.s32 s7, s6  }
0xe: {  	s6 =	sadd.s32 s4, s9;
	s7 =	sadd.s32 $0xC36F4, s31;
	s9 =	sadd.s32 $0x1F40, s10  }
0xf: {  	v0 =	vimm.f32 $0.0e+00;
	s10 =	sadd.s32 $0x2EE0, s10;
	s8 =	sadd.s32 $0x1F4, s6;
	s11 =	sadd.s32 $0x24AC00, s11  }
.LBB2_10:
0x10: {  	s22 =	sadd.s32 $0x1, s22  }
0x11: {  	p0 =	sne.s32 s22, s12  }
.Ltmp1:
0x12: {  	_ = 	snop;
	(pc) =	sbr.rel @!p0 .LBB2_11-.Ltmp1, $4  }
0x13: {  	[hbm4b:s11+s19] =	stream.strided.scatter [tilespmem:s2], [sflag:$0x3], $0x18800, s20, s19, $0x38;
	[tilespmem:$0x1C800] =	vst v63  }
0x14: {  	_ =	swait.ge [sflag:s21], $0x18800  }
0x15: {  	[sflag:s21] =	ssyncset.done $0x0  }
0x16: {  	[sflag:s21] =	ssyncadd.s32 $0xFFFE7800  }
.LBB2_1:
0x17: {  	[tilespmem:s13], [sflag:$0x1] =	stream.linear.gather [hbm4b:s5+s2], $0xFA0, $0x38;
	[tilespmem:$0x1C800] =	vst v63  }
0x18: {  	_ = 	snop  }
0x19: {  	[tilespmem:s14], [sflag:$0x1] =	stream.linear.gather [hbm4b:s6+s2], $0xFA0, $0x38;
	[tilespmem:$0x1C800] =	vst v63  }
0x1a: {  	_ = 	snop  }
0x1b: {  	[tilespmem:s15], [sflag:$0x2] =	stream.linear.gather [hbm4b:s7+s2], $0xFA0, $0x38;
	[tilespmem:$0x1C800] =	vst v63  }
0x1c: {  	s24 =	simm.s32 $0x0;
	s23 =	simm.s32 $0x200  }
0x1d: {  	[tilespmem:s16], [sflag:$0x2] =	stream.linear.gather [hbm4b:s8+s2], $0xFA0, $0x38;
	[tilespmem:$0x1C800] =	vst v63  }
.LBB2_2:
0x1e: {  	p0 =	sne.s32 s23, $0x61E00;
	[tilespmem:s24+$0x70] =	vst v0  }
0x1f: {  	[tilespmem:s24+$0x0] =	vst v0  }
0x20: {  	[tilespmem:s24+$0x10] =	vst v0  }
.Ltmp2:
0x21: {  	[tilespmem:s24+$0x20] =	vst v0;
	(pc) =	sbr.rel @p0 .LBB2_2-.Ltmp2, $4  }
0x22: {  	[tilespmem:s24+$0x30] =	vst v0  }
0x23: {  	[tilespmem:s24+$0x40] =	vst v0  }
0x24: {  	[tilespmem:s24+$0x50] =	vst v0  }
0x25: {  	[tilespmem:s24+$0x60] =	vst v0;
	s24 =	sshra.s32 s23, $0x2;
	s23 =	sadd.s32 $0x200, s23  }
0x26: {  	[tilespmem:s24+$0x70] =	vst v0  }
0x27: {  	[tilespmem:s24+$0x0] =	vst v0  }
0x28: {  	[tilespmem:s24+$0x10] =	vst v0  }
0x29: {  	[tilespmem:s24+$0x20] =	vst v0  }
0x2a: {  	[tilespmem:s24+$0x30] =	vst v0  }
0x2b: {  	[tilespmem:s24+$0x40] =	vst v0  }
0x2c: {  	[tilespmem:s24+$0x50] =	vst v0  }
0x2d: {  	s23 =	simm.s32 $0x0;
	[tilespmem:s24+$0x60] =	vst v0  }
.LBB2_4:
0x2e: {  	_ =	swait.ge [sflag:s17], $0xFA0  }
0x2f: {  	[sflag:s17] =	ssyncset.done $0x0  }
0x30: {  	[sflag:s17] =	ssyncadd.s32 $0xFFFFF060  }
0x31: {  	_ =	swait.ge [sflag:s17], $0xFA0  }
0x32: {  	s24 =	simm.s32 $0x18850;
	[sflag:s17] =	ssyncset.done $0x0  }
0x33: {  	s25 =	simm.s32 $0x1A850;
	s26 =	simm.s32 $0x0;
	[sflag:s17] =	ssyncadd.s32 $0xFFFFF060  }
.LBB2_5:
0x34: {  	v1 =	vld [tilespmem:s24+$0xFFFFFFB0];
	_ =	sdelay $0x2  }
0x35: {  	v2 =	vld [tilespmem:s25+$0xFFFFFFB0];
	_ =	sdelay $0x4  }
0x36: {  	[tilespmem:v1+s2+$0x0] =	vst.idx.add.f32.msk $0xffff, v2  }
0x37: {  	v1 =	vld [tilespmem:s24+$0xFFFFFFC0];
	_ =	sdelay $0x2  }
0x38: {  	v2 =	vld [tilespmem:s25+$0xFFFFFFC0];
	_ =	sdelay $0x4  }
0x39: {  	[tilespmem:v1+s2+$0x0] =	vst.idx.add.f32.msk $0xffff, v2  }
0x3a: {  	v1 =	vld [tilespmem:s24+$0xFFFFFFD0];
	_ =	sdelay $0x2  }
0x3b: {  	v2 =	vld [tilespmem:s25+$0xFFFFFFD0];
	_ =	sdelay $0x4  }
0x3c: {  	[tilespmem:v1+s2+$0x0] =	vst.idx.add.f32.msk $0xffff, v2  }
0x3d: {  	v1 =	vld [tilespmem:s24+$0xFFFFFFE0];
	_ =	sdelay $0x2  }
0x3e: {  	v2 =	vld [tilespmem:s25+$0xFFFFFFE0];
	_ =	sdelay $0x4  }
0x3f: {  	[tilespmem:v1+s2+$0x0] =	vst.idx.add.f32.msk $0xffff, v2  }
0x40: {  	v1 =	vld [tilespmem:s24+$0xFFFFFFF0];
	_ =	sdelay $0x2  }
0x41: {  	v2 =	vld [tilespmem:s25+$0xFFFFFFF0];
	_ =	sdelay $0x4  }
0x42: {  	[tilespmem:v1+s2+$0x0] =	vst.idx.add.f32.msk $0xffff, v2  }
0x43: {  	v1 =	vld [tilespmem:s24+$0x0];
	_ =	sdelay $0x2  }
0x44: {  	v2 =	vld [tilespmem:s25+$0x0];
	_ =	sdelay $0x4  }
0x45: {  	[tilespmem:v1+s2+$0x0] =	vst.idx.add.f32.msk $0xffff, v2  }
0x46: {  	v1 =	vld [tilespmem:s24+$0x10];
	_ =	sdelay $0x2  }
0x47: {  	v2 =	vld [tilespmem:s25+$0x10];
	_ =	sdelay $0x4  }
0x48: {  	[tilespmem:v1+s2+$0x0] =	vst.idx.add.f32.msk $0xffff, v2  }
0x49: {  	v1 =	vld [tilespmem:s24+$0x20];
	_ =	sdelay $0x2  }
0x4a: {  	v2 =	vld [tilespmem:s25+$0x20];
	_ =	sdelay $0x4  }
0x4b: {  	s28 =	sand.u32 $0x1FE0, s26;
	[tilespmem:v1+s2+$0x0] =	vst.idx.add.f32.msk $0xffff, v2  }
0x4c: {  	v1 =	vld [tilespmem:s28+$0x18880];
	_ =	sdelay $0x2  }
0x4d: {  	v2 =	vld [tilespmem:s28+$0x1A880];
	_ =	sdelay $0x4  }
0x4e: {  	[tilespmem:v1+s2+$0x0] =	vst.idx.add.f32.msk $0xffff, v2  }
0x4f: {  	v1 =	vld [tilespmem:s24+$0x40];
	_ =	sdelay $0x2  }
0x50: {  	p0 =	sne.s32 s26, $0xF00;
	v2 =	vld [tilespmem:s25+$0x40]  }
.Ltmp3:
0x51: {  	_ = 	snop;
	(pc) =	sbr.rel @p0 .LBB2_5-.Ltmp3, $2  }
0x52: {  	_ =	sdelay $0x2  }
0x53: {  	s26 =	sadd.s32 $0xA0, s26;
	s24 =	sadd.s32 $0xA0, s24;
	s25 =	sadd.s32 $0xA0, s25;
	[tilespmem:v1+s2+$0x0] =	vst.idx.add.f32.msk $0xffff, v2  }
0x54: {  	p0 =	seq.s32 s23, $0x18  }
0x55: {  	s24 =	smul.u32 @!p0 $0x1F40, s23;
	_ =	sdelay $0x1  }
0x56: {  	s24 =	sadd.s32 @!p0 s24, s9  }
0x57: {  	s24 =	sshrl.u32 @!p0 s24, $0x3  }
0x58: {  	s25 =	sadd.s32 @!p0 s3, s24  }
0x59: {  	s26 =	simm.s32 @!p0 $0x0;
	s28 =	simm.s32 @!p0 $0x18800;
	s25 =	sadd.s32 @!p0 $0xC3500, s25  }
0x5a: {  	[tilespmem:s28], [sflag:$0x1] =	stream.linear.gather @!p0 [hbm4b:s25+s26], $0xFA0, $0x38;
	[tilespmem:$0x1C800] =	vst v63  }
0x5b: {  	s24 =	sadd.s32 @!p0 s4, s24;
	s25 =	simm.s32 @!p0 $0x1A800  }
0x5c: {  	[tilespmem:s25], [sflag:$0x1] =	stream.linear.gather @!p0 [hbm4b:s24+s26], $0xFA0, $0x38;
	[tilespmem:$0x1C800] =	vst v63  }
0x5d: {  	_ =	swait.ge [sflag:s18], $0xFA0  }
0x5e: {  	[sflag:s18] =	ssyncset.done $0x0  }
0x5f: {  	[sflag:s18] =	ssyncadd.s32 $0xFFFFF060  }
0x60: {  	_ =	swait.ge [sflag:s18], $0xFA0  }
0x61: {  	s24 =	simm.s32 $0x0;
	[sflag:s18] =	ssyncset.done $0x0  }
0x62: {  	s25 =	simm.s32 $0x19850;
	s26 =	simm.s32 $0x1B850;
	[sflag:s18] =	ssyncadd.s32 $0xFFFFF060  }
.LBB2_7:
0x63: {  	v1 =	vld [tilespmem:s25+$0xFFFFFFB0];
	_ =	sdelay $0x2  }
0x64: {  	v2 =	vld [tilespmem:s26+$0xFFFFFFB0];
	_ =	sdelay $0x4  }
0x65: {  	[tilespmem:v1+s2+$0x0] =	vst.idx.add.f32.msk $0xffff, v2  }
0x66: {  	v1 =	vld [tilespmem:s25+$0xFFFFFFC0];
	_ =	sdelay $0x2  }
0x67: {  	v2 =	vld [tilespmem:s26+$0xFFFFFFC0];
	_ =	sdelay $0x4  }
0x68: {  	[tilespmem:v1+s2+$0x0] =	vst.idx.add.f32.msk $0xffff, v2  }
0x69: {  	v1 =	vld [tilespmem:s25+$0xFFFFFFD0];
	_ =	sdelay $0x2  }
0x6a: {  	v2 =	vld [tilespmem:s26+$0xFFFFFFD0];
	_ =	sdelay $0x4  }
0x6b: {  	[tilespmem:v1+s2+$0x0] =	vst.idx.add.f32.msk $0xffff, v2  }
0x6c: {  	v1 =	vld [tilespmem:s25+$0xFFFFFFE0];
	_ =	sdelay $0x2  }
0x6d: {  	v2 =	vld [tilespmem:s26+$0xFFFFFFE0];
	_ =	sdelay $0x4  }
0x6e: {  	[tilespmem:v1+s2+$0x0] =	vst.idx.add.f32.msk $0xffff, v2  }
0x6f: {  	v1 =	vld [tilespmem:s25+$0xFFFFFFF0];
	_ =	sdelay $0x2  }
0x70: {  	v2 =	vld [tilespmem:s26+$0xFFFFFFF0];
	_ =	sdelay $0x4  }
0x71: {  	[tilespmem:v1+s2+$0x0] =	vst.idx.add.f32.msk $0xffff, v2  }
0x72: {  	v1 =	vld [tilespmem:s25+$0x0];
	_ =	sdelay $0x2  }
0x73: {  	v2 =	vld [tilespmem:s26+$0x0];
	_ =	sdelay $0x4  }
0x74: {  	[tilespmem:v1+s2+$0x0] =	vst.idx.add.f32.msk $0xffff, v2  }
0x75: {  	v1 =	vld [tilespmem:s25+$0x10];
	_ =	sdelay $0x2  }
0x76: {  	v2 =	vld [tilespmem:s26+$0x10];
	_ =	sdelay $0x4  }
0x77: {  	[tilespmem:v1+s2+$0x0] =	vst.idx.add.f32.msk $0xffff, v2  }
0x78: {  	v1 =	vld [tilespmem:s25+$0x20];
	_ =	sdelay $0x2  }
0x79: {  	v2 =	vld [tilespmem:s26+$0x20];
	_ =	sdelay $0x4  }
0x7a: {  	s28 =	sand.u32 $0x1FE0, s24;
	[tilespmem:v1+s2+$0x0] =	vst.idx.add.f32.msk $0xffff, v2  }
0x7b: {  	v1 =	vld [tilespmem:s28+$0x19880];
	_ =	sdelay $0x2  }
0x7c: {  	v2 =	vld [tilespmem:s28+$0x1B880];
	_ =	sdelay $0x4  }
0x7d: {  	[tilespmem:v1+s2+$0x0] =	vst.idx.add.f32.msk $0xffff, v2  }
0x7e: {  	v1 =	vld [tilespmem:s25+$0x40];
	_ =	sdelay $0x2  }
0x7f: {  	p1 =	sne.s32 s24, $0xF00;
	v2 =	vld [tilespmem:s26+$0x40]  }
.Ltmp4:
0x80: {  	_ = 	snop;
	(pc) =	sbr.rel @p1 .LBB2_7-.Ltmp4, $2  }
0x81: {  	_ =	sdelay $0x2  }
0x82: {  	s24 =	sadd.s32 $0xA0, s24;
	s25 =	sadd.s32 $0xA0, s25;
	s26 =	sadd.s32 $0xA0, s26;
	[tilespmem:v1+s2+$0x0] =	vst.idx.add.f32.msk $0xffff, v2  }
.Ltmp5:
0x83: {  	(pc) =	sbr.rel @p0 .LBB2_10-.Ltmp5, $1  }
0x84: {  	_ =	sdelay $0x3  }
0x85: {  	s24 =	smul.u32 $0x1F40, s23;
	_ =	sdelay $0x1  }
0x86: {  	s24 =	sadd.s32 s24, s10  }
0x87: {  	s24 =	sshrl.u32 s24, $0x3  }
.Ltmp6:
0x88: {  	s25 =	sadd.s32 s3, s24;
	(pc) =	sbr.rel .LBB2_4-.Ltmp6, $4  }
0x89: {  	s25 =	sadd.s32 $0xC3500, s25  }
0x8a: {  	[tilespmem:s15], [sflag:$0x2] =	stream.linear.gather [hbm4b:s25+s2], $0xFA0, $0x38;
	[tilespmem:$0x1C800] =	vst v63  }
0x8b: {  	s23 =	sadd.s32 $0x1, s23;
	s24 =	sadd.s32 s4, s24  }
0x8c: {  	[tilespmem:s16], [sflag:$0x2] =	stream.linear.gather [hbm4b:s24+s2], $0xFA0, $0x38;
	[tilespmem:$0x1C800] =	vst v63  }
.LBB2_11:
0x8d: {  	_ =	sfence.sel $0x180000  }
0x8e: {  	[bflag:$0x0] =	sbarrier.arrive $0xFFFF  }
0x8f: {  	p0 =	sne.s32 s1, $0x0;
	_ =	strace $0x9000004D  }
0x90: {  	s0 =	sadd.s32 @!p0 $0x100000, s0;
	[bflag:$0x2] =	sbarrier.arrive $0xFFFF  }
0x91: {  	[sflag:s0] =	ssyncadd.tile.s32 @!p0 $0x1;
	_ =	shalt  }
.Lfunc_end2:
_tile_overlayer_lowered:
.L_overlay_start_2:
0x92: {  	(tag) =	ssettag $0x2  }
0x93: {  	s0 =	rddreg [dreg:$0x0];
	s2 =	stileid.u32  }
0x94: {  	s1 =	rddreg [dreg:$0x1];
	p0 =	sne.s32 s2, $0x0  }
0x95: {  	s3 =	rddreg [dreg:$0x2];
	[bflag:$0x3] =	sbarrier.arrive $0xFFFF;
	s2 =	simm.s32 @!p0 $0x1C03  }
0x96: {  	[timem:s3], [sflag:s2] =	dma.local @!p0 [hbm:s0], s1  }
0x97: {  	s0 =	simm.s32 @!p0 $0x3  }
0x98: {  	_ =	swait.ge @!p0 [sflag:s0], s1  }
0x99: {  	s1 =	ssub.s32 @!p0 $0x0, s1;
	[sflag:s0] =	ssyncset.done @!p0 $0x0  }
0x9a: {  	[sflag:s0] =	ssyncadd.s32 @!p0 s1  }
0x9b: {  	[bflag:$0x3] =	sbarrier.arrive $0xFFFF  }
0x9c: {  	_ =	shalt  }

// kernel: sparse-core-data-format-call.cloned.1.call-start
scs
called_computation_lowered:
.L_overlay_start_0:
0x0: {  	s2 =	sld [smem:$0x3FD9]  }
0x1: {  	s3 =	sld [smem:$0x3FFE];
	_ =	sdelay $0x1  }
0x2: {  	s1 =	srdreg.scid  }
0x3: {  	s0 =	sand.u32 $0x1, s1  }
0x4: {  	s18 =	sshll.u32 s0, $0xA;
	s2 =	sadd.s32 s3, s2  }
0x5: {  	s2 =	sadd.s32 s2, s18  }
0x6: {  	[smem:$0x3FC5] =	sst s2  }
0x7: {  	_ = 	snop  }
0x8: {  	s2 =	sld [smem:$0x3FC7];
	(tm) =	ssettm $0x1  }
0x9: {  	s19 =	sld [smem:$0x3FFB];
	_ =	sdelay $0x3  }
0xa: {  	_ =	strace s19  }
0xb: {  	s3 =	sld [smem:$0x3FFC];
	_ =	sdelay $0x3  }
0xc: {  	_ =	strace s3  }
0xd: {  	s3 =	sld [smem:$0x3FFD];
	_ =	sdelay $0x3  }
0xe: {  	_ =	strace s3  }
0xf: {  	_ =	strace $0x8FFFFFFF  }
0x10: {  	s20 =	sld [smem:$0x3FDB];
	_ =	sdelay $0x1  }
0x11: {  	s4 =	simm.s32 $_scs_section_size  }
0x12: {  	s5 =	simm.s32 $_size__tile_overlayer_lowered;
	s6 =	simm.s32 $_tile_overlayer_lowered  }
0x13: {  	s23 =	simm.s32 $0x1BFF;
	s22 =	sshll.u32 s6, $0x1;
	s3 =	sadd.s32 s4, s20  }
0x14: {  	s7 =	simm.s32 $0x0;
	s21 =	sshll.u32 s5, $0x1;
	s5 =	sadd.s32 s22, s3  }
0x15: {  	[timem:s7], [sflag:s23] =	dma.local [hbm:s5], s21  }
0x16: {  	_ =	swait.ge [sflag:s23], s21  }
0x17: {  	s4 =	ssub.s32 $0x0, s21;
	[sflag:s23] =	ssyncset.done $0x0  }
0x18: {  	[sflag:s23] =	ssyncadd.s32 s4;
	_ =	sdelay $0x1  }
0x19: {  	s24 =	simm.s32 $0x1B8B  }
0x1a: {  	_ =	swait.ge [sflag:s24], $0x1  }
0x1b: {  	[sflag:s24] =	ssyncset.done $0x0  }
0x1c: {  	s26 =	simm.s32 $0x1B8E;
	s25 =	sld [smem:$0x3FFE];
	[sflag:s24] =	ssyncadd.s32 $0xFFFFFFFF  }
0x1d: {  	s27 =	simm.s32 $execute0_lowered;
	[smem:$0x3FD2] =	sst s26  }
0x1e: {  	s5 =	sshll.u32 s27, $0x1;
	_ =	strace $0x80000046;
	[dreg:$0x1] =	wrdreg $0xFFFFFFFF  }
0x1f: {  	s28 =	simm.s32 $_size_execute0_lowered;
	s3 =	sadd.s32 s3, s5;
	[dreg:$0x0] =	wrdreg $0x0  }
0x20: {  	s5 =	sshll.u32 s28, $0x1;
	[dreg:$0x2] =	wrdreg s3  }
0x21: {  	[dreg:$0x3] =	wrdreg s5  }
0x22: {  	[dreg:$0x4] =	wrdreg $0xC0  }
0x23: {  	_ =	task [dreg:s7], $0x5FFFF  }
0x24: {  	[dreg:$0x1] =	wrdreg $0xFFFFFFFF  }
0x25: {  	[dreg:$0x0] =	wrdreg $0x60  }
0x26: {  	[dreg:$0x2] =	wrdreg s2  }
0x27: {  	[dreg:$0x3] =	wrdreg s25  }
0x28: {  	[dreg:$0x4] =	wrdreg $0x9  }
0x29: {  	_ =	task.clear_ibuf [dreg:s7], $0x5FFFF;
	_ =	strace $0x90000046  }
0x2a: {  	s29 =	simm.s32 $0x9;
	_ =	strace $0x80000048  }
0x2b: {  	_ =	swait.ge [sflag:s29], $0x1  }
0x2c: {  	[sflag:s29] =	ssyncadd.s32 $0xFFFFFFFF  }
0x2d: {  	_ =	strace $0x90000048  }
0x2e: {  	_ =	sfence  }
0x2f: {  	s30 =	sld [smem:$0x0];
	_ =	sdelay $0x2  }
0x30: {  	s31 =	sshll.u32 s1, $0xD;
	s1 =	sshrl.u32 s1, $0x2  }
0x31: {  	s3 =	sand.u32 $0x4000, s31;
	s1 =	sadd.s32 s1, s30  }
0x32: {  	s0 =	sor.u32 s3, s0;
	s1 =	sshll.u32 s1, $0x11  }
0x33: {  	s0 =	sor.u32 s1, s0  }
0x34: {  	s0 =	sadd.s32 $0x8F2B, s0  }
0x35: {  	[sflag:s0] =	ssyncadd.remote.s32 $0x1  }
0x36: {  	_ =	sfence.sel $0xFFFF  }
0x37: {  	[dreg:$0x0] =	wrdreg $0xFFFFFFFF;
	(pc) =	sbr.abs _section_cstart, $3  }
0x38: {  	[dreg:$0x1] =	wrdreg $0xFFFFFFFF  }
0x39: {  	_ =	task.clear_ibuf [dreg:s7], $0x2FFFF;
	_ =	strace $0x9FFFFFFF  }
0x3a: {  	(tm) =	ssettm $0x7FFFFFFF  }
0x3b: {  	_ =	shalt  }
tec
execute0_lowered:
.L_overlay_start_1:
0x0: {  	(tag) =	ssettag $0x1  }
0x1: {  	s0 =	stileid.u32;
	s7 =	rddreg [dreg:$0x0]  }
0x2: {  	s1 =	srdreg.scid;
	s4 =	rddreg [dreg:$0x1]  }
0x3: {  	s30 =	simm.s32 $0x2;
	s10 =	simm.s32 $0x0;
	s14 =	simm.s32 $0x0  }
0x4: {  	s15 =	simm.s32 $0x0;
	s11 =	simm.s32 $0x0;
	s13 =	simm.s32 $0x0  }
0x5: {  	s2 =	sand.u32 $0x1, s1;
	s3 =	sshll.u32 s0, $0x7;
	s1 =	rddreg [dreg:$0x2]  }
0x6: {  	_ =	strace $0x80000047;
	s5 =	ssub.s32 $0xC300, s3;
	s6 =	ssub.s32 $0x2, s2  }
.Ltmp0:
0x7: {  	s5 =	sshrl.u32 s5, $0xB;
	s8 =	sshrl.u32 s6, $0x1;
	(pc) =	sbr.rel .LBB1_1-.Ltmp0, $4  }
0x8: {  	s4 =	sadd.s32 $0xC00, s4;
	s9 =	sadd.s32 $0x1, s5;
	s6 =	ssub.s32 s6, s8  }
0x9: {  	s31 =	sshll.u32 s2, $0x4;
	s5 =	simm.s32 $0x1;
	s6 =	smul.u32 s9, s6  }
0xa: {  	s12 =	smov.u32 s3;
	s7 =	sadd.s32 s7, s31;
	[sflag:s5] =	ssyncpa.u1 $0x0  }
0xb: {  	s9 =	simm.s32 $0x0;
	[sflag:s30] =	ssyncpa.u1 $0x0;
	s8 =	sadd.s32 $0x1, s6  }
.LBB1_4:
0xc: {  	s21 =	simm.s32 $0x0  }
.LBB1_8:
0xd: {  	_ =	sdelay $0x3  }
0xe: {  	v6 =	vld [tilespmem:s18+$0xFFFFFFC0];
	[tilespmem:v0+s20+$0x30 ss:$0x1] =	vst.idx.msk @p0 $0xffff, v2  }
0xf: {  	v58 =	vld [tilespmem:s18+$0xFFFFFFD0];
	[tilespmem:v0+s20+$0x40 ss:$0x1] =	vst.idx.msk @p0 $0xffff, v3;
	s21 =	sadd.s32 @p0 $0x80, s21  }
0x10: {  	v59 =	vld [tilespmem:s18+$0xFFFFFFE0];
	[tilespmem:v0+s20+$0x50 ss:$0x1] =	vst.idx.msk @p0 $0xffff, v5;
	s19 =	smov.u32 @p0 s21  }
0x11: {  	v60 =	vld [tilespmem:s18+$0xFFFFFFF0];
	[tilespmem:v0+s20+$0x60 ss:$0x1] =	vst.idx.msk @p0 $0xffff, v4;
	s19 =	sand.u32 $0x3F80, s19  }
0x12: {  	v61 =	vld [tilespmem:s18+$0x0];
	[tilespmem:v0+s19+$0x70 ss:$0x1] =	vst.idx.msk $0xffff, v1  }
0x13: {  	v62 =	vld [tilespmem:s18+$0x10];
	[tilespmem:v0+s19+$0x0 ss:$0x1] =	vst.idx.msk $0xffff, v6  }
0x14: {  	v63 =	vld [tilespmem:s18+$0x20];
	[tilespmem:v0+s19+$0x10 ss:$0x1] =	vst.idx.msk $0xffff, v58  }
0x15: {  	[tilespmem:v0+s19+$0x20 ss:$0x1] =	vst.idx.msk $0xffff, v59  }
0x16: {  	[tilespmem:v0+s19+$0x30 ss:$0x1] =	vst.idx.msk $0xffff, v60  }
0x17: {  	[tilespmem:v0+s19+$0x40 ss:$0x1] =	vst.idx.msk $0xffff, v61  }
0x18: {  	[tilespmem:v0+s19+$0x50 ss:$0x1] =	vst.idx.msk $0xffff, v62  }
0x19: {  	[tilespmem:v0+s19+$0x60 ss:$0x1] =	vst.idx.msk $0xffff, v63  }
.LBB1_9:
0x1a: {  	s18 =	sand.u32 $0x1FFFFFF, s11  }
0x1b: {  	s19 =	smulhi.u32 $0x14F8B59, s18;
	_ =	sdelay $0x1  }
0x1c: {  	s19 =	sshrl.u32 s19, $0x8  }
0x1d: {  	s19 =	smul.u32 $0xC350, s19  }
0x1e: {  	s15 =	smul.u32 $0xC3500, s15  }
0x1f: {  	s18 =	ssub.s32 s18, s19  }
0x20: {  	s15 =	sadd.s32 s4, s15;
	s18 =	sshll.u32 s18, $0x4  }
0x21: {  	s15 =	sadd.s32 s18, s15  }
0x22: {  	[hbm4b:s15+s9] =	stream.linear.scatter [tilespmem:s17], [sflag:$0x2], s16, $0x38;
	[tilespmem:$0x10000] =	vst v63  }
.LBB1_10:
0x23: {  	p0 =	slt.u32 s13, $0x2  }
0x24: {  	p1 =	sgt.s32 @!p0 s14, $0xC2D0  }
0x25: {  	s15 =	smov.u32 s14;
	s16 =	sshra.s32 @!p0 s14, $0x1F;
	p1 =	por !p1, p0  }
0x26: {  	s14 =	sand.u32 @!p0 s16, s14;
	s15 =	simm.s32 @p1 $0xC2D0  }
0x27: {  	s14 =	ssub.s32 @!p0 s15, s14  }
0x28: {  	s14 =	sadd.s32 @!p0 $0xFFFF3D30, s14  }
0x29: {  	s15 =	sshll.u32 @!p0 s14, $0x7  }
0x2a: {  	p1 =	sgt.s32 @!p0 s14, $0x7F;
	s14 =	ssub.s32 @!p0 $0x4000, s15  }
0x2b: {  	s16 =	sadd.s32 $0x800, s12;
	p1 =	por !p1, p0;
	s14 =	sand.u32 @!p0 $0x3FFFFF80, s14  }
0x2c: {  	s14 =	simm.s32 @!p1 $0x0;
	p1 =	sgt.s32 s16, $0xC34F  }
0x2d: {  	s16 =	smov.u32 @p1 s3;
	p1 =	sne.s32 s13, s8  }
.Ltmp1:
0x2e: {  	_ = 	snop;
	(pc) =	sbr.rel @!p1 .LBB1_11-.Ltmp1, $4  }
0x2f: {  	s10 =	sadd.s32 $0x4000, s10;
	s15 =	simm.s32 @!p0 $0x2  }
0x30: {  	_ =	swait.ge @!p0 [sflag:s15], s14;
	s17 =	ssub.s32 @!p0 $0x0, s14;
	s14 =	smov.u32 s11  }
0x31: {  	s13 =	sadd.s32 $0x1, s13;
	s11 =	smov.u32 s12;
	[sflag:s15] =	ssyncset.done @!p0 $0x0  }
0x32: {  	s12 =	smov.u32 s16;
	[sflag:s15] =	ssyncadd.s32 @!p0 s17;
	s15 =	smov.u32 s2  }
.LBB1_1:
0x33: {  	p0 =	sge.u32 s13, s6  }
0x34: {  	p1 =	sgt.s32 @!p0 s12, $0xC2D0  }
0x35: {  	s16 =	smov.u32 s12;
	s17 =	sshra.s32 @!p0 s12, $0x1F;
	p1 =	por !p1, p0  }
0x36: {  	s17 =	sand.u32 @!p0 s17, s12;
	s16 =	simm.s32 @p1 $0xC2D0  }
0x37: {  	s16 =	ssub.s32 @!p0 s16, s17  }
0x38: {  	s31 =	sadd.s32 $0xFFFFFFFF, s13;
	s18 =	sxor.u32 @!p0 $0xFFFFFFFF, s13;
	s16 =	sadd.s32 @!p0 $0xFFFF3D30, s16  }
0x39: {  	s19 =	simm.s32 @!p0 $0x80;
	s20 =	simm.s32 @!p0 $0x100;
	s17 =	sshll.u32 @!p0 s16, $0x7  }
0x3a: {  	p1 =	sgt.s32 @!p0 s16, $0x7F;
	s16 =	ssub.s32 @!p0 $0x4000, s17;
	s17 =	sshll.u32 @!p0 s18, $0xE  }
0x3b: {  	p1 =	por !p1, p0;
	s18 =	sshll.u32 @!p0 s12, $0x5;
	s16 =	sand.u32 @!p0 $0x3FFFFF80, s16  }
0x3c: {  	s17 =	sand.u32 @!p0 $0x4000, s17;
	s18 =	sadd.s32 @!p0 s18, s7;
	s16 =	simm.s32 @!p1 $0x0  }
0x3d: {  	[tilespmem:s17], [sflag:$0x1] =	stream.strided.gather @!p0 [hbm4b:s18+s19], s16, s20, s19, $0x38;
	[tilespmem:$0x10000] =	vst v63  }
0x3e: {  	p0 =	sge.u32 s31, s6  }
.Ltmp2:
0x3f: {  	_ = 	snop;
	(pc) =	sbr.rel @p0 .LBB1_10-.Ltmp2, $1  }
0x40: {  	_ =	sdelay $0x3  }
0x41: {  	p0 =	sgt.s32 s11, $0xC2D0;
	s16 =	smov.u32 s11;
	s17 =	sshra.s32 s11, $0x1F  }
0x42: {  	s16 =	simm.s32 @!p0 $0xC2D0;
	s17 =	sand.u32 s17, s11  }
0x43: {  	s16 =	ssub.s32 s16, s17  }
0x44: {  	s16 =	sadd.s32 $0xFFFF3D30, s16  }
0x45: {  	s30 =	sshll.u32 s16, $0x7  }
0x46: {  	s17 =	ssub.s32 $0x4000, s30  }
0x47: {  	p0 =	sgt.s32 s16, $0x7F;
	s16 =	sand.u32 $0x3FFFFF80, s17;
	s17 =	sadd.s32 $0x80, s11  }
0x48: {  	s16 =	simm.s32 @p0 $0x0;
	p0 =	slt.s32 s17, $0xC350  }
0x49: {  	s17 =	simm.s32 @!p0 $0xC350  }
0x4a: {  	s20 =	ssub.s32 s17, s11  }
0x4b: {  	p0 =	slt.s32 s20, $0x1  }
.Ltmp3:
0x4c: {  	_ = 	snop;
	(pc) =	sbr.rel @p0 .LBB1_9-.Ltmp3, $4  }
0x4d: {  	_ = 	snop  }
0x4e: {  	s19 =	sshll.u32 s13, $0xE;
	_ =	swait.ge [sflag:s5], s16  }
0x4f: {  	s31 =	sand.u32 $0x4000, s19;
	s18 =	ssub.s32 $0x0, s16;
	[sflag:s5] =	ssyncset.done $0x0  }
0x50: {  	s17 =	sor.u32 $0x8000, s31;
	[sflag:s5] =	ssyncadd.s32 s18  }
0x51: {  	p1 =	sne.s32 s20, $0x1  }
.Ltmp4:
0x52: {  	v0 =	vmov s17;
	(pc) =	sbr.rel @!p1 .LBB1_4-.Ltmp4, $4  }
0x53: {  	_ = 	snop  }
0x54: {  	s18 =	sand.u32 $0x4000, s10  }
0x55: {  	s18 =	sor.u32 $0x40, s18  }
0x56: {  	s19 =	simm.s32 $0x0;
	s21 =	sadd.s32 $0xFFFFFFFF, s20;
	p0 =	por $0x0, $0x0;
	v1 =	vld [tilespmem:s18+$0x30]  }
0x57: {  	v4 =	vld [tilespmem:s18+$0xFFFFFFC0]  }
0x58: {  	v6 =	vld [tilespmem:s18+$0xFFFFFFD0]  }
0x59: {  	v7 =	vld [tilespmem:s18+$0xFFFFFFE0];
	p1 =	sne.s32 s21, $0x1  }
.Ltmp5:
0x5a: {  	v2 =	vld [tilespmem:s18+$0xFFFFFFF0];
	s20 =	sand.u32 $0x3F80, s19;
	(pc) =	sbr.rel @!p1 .LBB1_6-.Ltmp5, $4  }
0x5b: {  	v3 =	vld [tilespmem:s18+$0x0];
	[tilespmem:v0+s20+$0x70 ss:$0x1] =	vst.idx.msk $0xffff, v1  }
0x5c: {  	v5 =	vld [tilespmem:s18+$0x10];
	[tilespmem:v0+s20+$0x0 ss:$0x1] =	vst.idx.msk $0xffff, v4  }
0x5d: {  	v4 =	vld [tilespmem:s18+$0x20];
	[tilespmem:v0+s20+$0x10 ss:$0x1] =	vst.idx.msk $0xffff, v6;
	s18 =	sadd.s32 $0x80, s18  }
0x5e: {  	s22 =	sadd.s32 $0xFFFFFFFF, s21;
	p0 =	por $0x1, $0x1;
	s21 =	simm.s32 $0x0;
	[tilespmem:v0+s20+$0x20 ss:$0x1] =	vst.idx.msk $0xffff, v7;
	v1 =	vld [tilespmem:s18+$0x30]  }
.LBB1_7:
0x5f: {  	p1 =	sne.s32 s22, $0x1;
	v6 =	vld [tilespmem:s18+$0xFFFFFFC0];
	[tilespmem:v0+s20+$0x30 ss:$0x1] =	vst.idx.msk $0xffff, v2  }
0x60: {  	v7 =	vld [tilespmem:s18+$0xFFFFFFD0];
	[tilespmem:v0+s20+$0x40 ss:$0x1] =	vst.idx.msk $0xffff, v3  }
0x61: {  	s21 =	sadd.s32 $0x80, s21;
	v8 =	vld [tilespmem:s18+$0xFFFFFFE0];
	[tilespmem:v0+s20+$0x50 ss:$0x1] =	vst.idx.msk $0xffff, v5  }
.Ltmp6:
0x62: {  	v2 =	vld [tilespmem:s18+$0xFFFFFFF0];
	[tilespmem:v0+s20+$0x60 ss:$0x1] =	vst.idx.msk $0xffff, v4;
	s20 =	sand.u32 $0x3F80, s21;
	(pc) =	sbr.rel @p1 .LBB1_7-.Ltmp6, $4  }
0x63: {  	v3 =	vld [tilespmem:s18+$0x0];
	[tilespmem:v0+s20+$0x70 ss:$0x1] =	vst.idx.msk $0xffff, v1  }
0x64: {  	[tilespmem:v0+s20+$0x0 ss:$0x1] =	vst.idx.msk $0xffff, v6;
	v5 =	vld [tilespmem:s18+$0x10]  }
0x65: {  	[tilespmem:v0+s20+$0x10 ss:$0x1] =	vst.idx.msk $0xffff, v7;
	v4 =	vld [tilespmem:s18+$0x20];
	s18 =	sadd.s32 $0x80, s18  }
0x66: {  	s22 =	sadd.s32 $0xFFFFFFFF, s22;
	v1 =	vld [tilespmem:s18+$0x30];
	[tilespmem:v0+s20+$0x20 ss:$0x1] =	vst.idx.msk $0xffff, v8  }
.Ltmp7:
0x67: {  	_ = 	snop;
	(pc) =	sbr.rel .LBB1_8-.Ltmp7, $1  }
0x68: {  	_ =	sdelay $0x3  }
.LBB1_6:
.Ltmp8:
0x69: {  	(pc) =	sbr.rel .LBB1_8-.Ltmp8, $2  }
0x6a: {  	_ =	sdelay $0x2  }
0x6b: {  	s21 =	simm.s32 $0x0  }
.LBB1_11:
0x6c: {  	_ =	sfence.sel $0x180000  }
0x6d: {  	s2 =	simm.s32 $0x1;
	[bflag:$0x0] =	sbarrier.arrive $0xFFFF  }
0x6e: {  	s31 =	simm.s32 $0x2;
	[sflag:s2] =	ssyncpa.u1 $0x1  }
0x6f: {  	[sflag:s31] =	ssyncpa.u1 $0x1  }
0x70: {  	p0 =	sne.s32 s0, $0x0;
	_ =	strace $0x90000047  }
0x71: {  	s0 =	sadd.s32 @!p0 $0x100000, s1;
	[bflag:$0x2] =	sbarrier.arrive $0xFFFF  }
0x72: {  	[sflag:s0] =	ssyncadd.tile.s32 @!p0 $0x1;
	_ =	shalt  }
.Lfunc_end1:
_tile_overlayer_lowered:
.L_overlay_start_2:
0x73: {  	(tag) =	ssettag $0x2  }
0x74: {  	s0 =	rddreg [dreg:$0x0];
	s2 =	stileid.u32  }
0x75: {  	s1 =	rddreg [dreg:$0x1];
	p0 =	sne.s32 s2, $0x0  }
0x76: {  	s3 =	rddreg [dreg:$0x2];
	[bflag:$0x3] =	sbarrier.arrive $0xFFFF;
	s2 =	simm.s32 @!p0 $0x1C01  }
0x77: {  	[timem:s3], [sflag:s2] =	dma.local @!p0 [hbm:s0], s1  }
0x78: {  	s0 =	simm.s32 @!p0 $0x1  }
0x79: {  	_ =	swait.ge @!p0 [sflag:s0], s1  }
0x7a: {  	s1 =	ssub.s32 @!p0 $0x0, s1;
	[sflag:s0] =	ssyncset.done @!p0 $0x0  }
0x7b: {  	[sflag:s0] =	ssyncadd.s32 @!p0 s1  }
0x7c: {  	[bflag:$0x3] =	sbarrier.arrive $0xFFFF  }
0x7d: {  	_ =	shalt  }

</sc_bundles>
